<compile_context>
chip_gen: v7x
topology: tpu7x:2x2x1
jax: 0.10.2.dev20260603
libtpu: 0.0.44.dev20260713+nightly
codegen_flags: <defaults>
</compile_context>

<pallas_src>
import functools

import jax
import jax.numpy as jnp
from jax import lax
from jax.experimental import pallas as pl
from jax.experimental.pallas import tpu as pltpu
from jax.experimental.pallas import tpu_sc as plsc

TABLE_SIZE = 100003
NUM_HEADS = 8
EMBED_DIM = 512
HEAD_DIM = EMBED_DIM // NUM_HEADS
TOTAL_TABLE = TABLE_SIZE * NUM_HEADS

_INFO = plsc.get_sparse_core_info()
NC = _INFO.num_cores
NS = _INFO.num_subcores
NW = NC * NS
L = _INFO.num_lanes

CHUNK = 512


def _mod(x):
    xf = x.astype(jnp.float32)
    q = (xf * jnp.float32(1.0 / TOTAL_TABLE)).astype(jnp.int32)
    r = x - q * TOTAL_TABLE
    r = jnp.where(r < 0, r + TOTAL_TABLE, r)
    r = jnp.where(r >= TOTAL_TABLE, r - TOTAL_TABLE, r)
    return r


def _modmul(t, p_hi, p_lo):
    a = _mod(t * p_hi)
    b = _mod(a * 1024)
    return _mod(b + t * p_lo)


@functools.partial(jax.jit, static_argnums=(4, 5))
def _launch(prev_ids, cur_ids, primes_flat, memory_table, n_pos, n_rows):
    p_per_w = n_pos // NW
    r_per_w = p_per_w * NUM_HEADS
    n_chunk = r_per_w // CHUNK
    mesh = plsc.VectorSubcoreMesh(core_axis_name="c", subcore_axis_name="s")

    @functools.partial(
        pl.kernel,
        mesh=mesh,
        compiler_params=pltpu.CompilerParams(
            needs_layout_passes=False, use_tc_tiling_on_sc=False),
        out_type=jax.ShapeDtypeStruct((n_rows, HEAD_DIM), jnp.float32),
        scratch_types=[
            pltpu.VMEM((p_per_w,), jnp.int32),
            pltpu.VMEM((p_per_w,), jnp.int32),
            pltpu.VMEM((64,), jnp.int32),
            pltpu.VMEM((r_per_w,), jnp.int32),
            pltpu.VMEM((CHUNK, HEAD_DIM), jnp.float32),
            pltpu.VMEM((CHUNK, HEAD_DIM), jnp.float32),
            pltpu.SemaphoreType.DMA,
            pltpu.SemaphoreType.DMA,
        ],
    )
    def k(prev_hbm, cur_hbm, primes_hbm, table_hbm, out_hbm,
          prev_v, cur_v, primes_v, idx_v, rows0, rows1, sem_g, sem_s):
        w = lax.axis_index("s") * NC + lax.axis_index("c")
        base_p = w * p_per_w
        pltpu.sync_copy(prev_hbm.at[pl.ds(base_p, p_per_w)], prev_v)
        pltpu.sync_copy(cur_hbm.at[pl.ds(base_p, p_per_w)], cur_v)
        pltpu.sync_copy(primes_hbm, primes_v)

        ph0 = primes_v[pl.ds(0, L)]
        pl0 = primes_v[pl.ds(L, L)]
        ph1 = primes_v[pl.ds(2 * L, L)]
        pl1 = primes_v[pl.ds(3 * L, L)]
        iot = lax.iota(jnp.int32, L)
        lane_p = iot >> 3

        def hash_body(i, carry):
            p = lane_p + jnp.int32(2) * i
            tp = plsc.load_gather(prev_v, [p])
            tc = plsc.load_gather(cur_v, [p])
            h = _modmul(tp, ph0, pl0) + _modmul(tc, ph1, pl1)
            h = jnp.where(h >= TOTAL_TABLE, h - TOTAL_TABLE, h)
            idx_v[pl.ds(i * jnp.int32(L), L)] = h
            return carry

        lax.fori_loop(jnp.int32(0), jnp.int32(r_per_w // L), hash_body,
                      jnp.int32(0))

        row_base = w * r_per_w
        bufs = (rows0, rows1)
        gathers = [None] * n_chunk
        gathers[0] = pltpu.async_copy(
            table_hbm.at[idx_v.at[pl.ds(0, CHUNK)]], bufs[0], sem_g)
        stores = [None] * n_chunk
        for c in range(n_chunk):
            gathers[c].wait()
            if c >= 1:
                stores[c - 1].wait()
            if c + 1 < n_chunk:
                gathers[c + 1] = pltpu.async_copy(
                    table_hbm.at[idx_v.at[pl.ds((c + 1) * CHUNK, CHUNK)]],
                    bufs[(c + 1) % 2], sem_g)
            stores[c] = pltpu.async_copy(
                bufs[c % 2], out_hbm.at[pl.ds(row_base + c * CHUNK, CHUNK)],
                sem_s)
        stores[n_chunk - 1].wait()

    return k(prev_ids, cur_ids, primes_flat, memory_table)


def kernel(input_ids, memory_table, hash_primes):
    b, s = input_ids.shape
    n_pos = b * s
    n_rows = n_pos * NUM_HEADS

    ids32 = input_ids.astype(jnp.int32)
    cur = ids32.reshape(-1)
    prev = jnp.pad(ids32, ((0, 0), (1, 0)))[:, :-1].reshape(-1)

    pm = (hash_primes % TOTAL_TABLE).astype(jnp.int32)
    ph = pm >> 10
    plo = pm & 1023
    primes_flat = jnp.concatenate([
        jnp.tile(ph[:, 0], 2), jnp.tile(plo[:, 0], 2),
        jnp.tile(ph[:, 1], 2), jnp.tile(plo[:, 1], 2),
    ]).astype(jnp.int32)

    out = _launch(prev, cur, primes_flat, memory_table, n_pos, n_rows)
    return out.reshape(b, s, EMBED_DIM)

# --- scband reference (transcript-rebuilt; emitter-appended) ---
"""Pipeline reference for scband-engram-embeddings-74320114090182 (READ-ONLY COPY).

The authoritative reference and input builder live on the scoring server;
editing this copy changes nothing except your own understanding.
"""

import jax
jax.config.update('jax_enable_x64', True)
import jax.numpy as jnp
import numpy as np

TABLE_SIZE = 100003
NUM_HEADS = 8
EMBED_DIM = 512
HEAD_DIM = EMBED_DIM // NUM_HEADS
NGRAM_ORDER = 2
TOTAL_TABLE = TABLE_SIZE * NUM_HEADS
B, S = 4, 4096
VOCAB = 100000


def setup_inputs(seed: int = 0) -> dict:
    key = jax.random.key(seed)
    k1, k2, k3 = jax.random.split(key, 3)
    input_ids = jax.random.randint(k1, (B, S), 0, VOCAB, dtype=jnp.int64)
    # learned memory table (module zero-inits; use small randn for a meaningful benchmark)
    memory_table = jax.random.normal(k2, (TOTAL_TABLE, HEAD_DIM), dtype=jnp.float32) * 0.02
    # hash_primes buffer: torch.randint(1_000_000, 1_000_000_000, (num_heads, ngram_order))
    hash_primes = jax.random.randint(k3, (NUM_HEADS, NGRAM_ORDER), 1000000, 1000000000, dtype=jnp.int64)
    return {'input_ids': input_ids, 'memory_table': memory_table, 'hash_primes': hash_primes}


def reference(input_ids, memory_table, hash_primes):
    # get_ngram_hashes: pad left with ngram_order-1 zeros, unfold windows of size ngram_order
    padded = jnp.pad(input_ids, ((0, 0), (NGRAM_ORDER - 1, 0)), constant_values=0)
    ngrams = jnp.stack([padded[:, j:j + S] for j in range(NGRAM_ORDER)], axis=-1)  # [B, S, N]
    # broadcast against per-head primes -> [B, S, H]
    hashes = jnp.sum(ngrams[:, :, None, :].astype(jnp.int64) * hash_primes[None, None, :, :], axis=-1) % TOTAL_TABLE
    # embedding gather: [B, S, H, head_dim]
    retrieved = jnp.take(memory_table, hashes, axis=0)
    memory_output = retrieved.reshape(B, S, EMBED_DIM)
    return memory_output

if __name__ == "__main__":
    import jax
    _d = setup_inputs()
    print(jax.jit(kernel)(*tuple(_d.values())))

</pallas_src>

<mosaic_0001>
#map = affine_map<(d0, d1) -> (0)>
#map1 = affine_map<(d0, d1) -> (0, 0)>
module attributes {stable_mosaic.version = 14 : i64} {
  func.func @k(%arg0: i32, %arg1: i32, %arg2: memref<16384xi32, #tpu.memory_space<hbm>>, %arg3: memref<16384xi32, #tpu.memory_space<hbm>>, %arg4: memref<64xi32, #tpu.memory_space<hbm>>, %arg5: memref<800024x64xf32, #tpu.memory_space<hbm>>, %arg6: memref<131072x64xf32, #tpu.memory_space<hbm>>, %arg7: memref<512xi32, #tpu.memory_space<vmem>>, %arg8: memref<512xi32, #tpu.memory_space<vmem>>, %arg9: memref<64xi32, #tpu.memory_space<vmem>>, %arg10: memref<4096xi32, #tpu.memory_space<vmem>>, %arg11: memref<512x64xf32, #tpu.memory_space<vmem>>, %arg12: memref<512x64xf32, #tpu.memory_space<vmem>>, %arg13: memref<!tpu.dma_semaphore, #tpu.memory_space<semaphore_mem>>, %arg14: memref<!tpu.dma_semaphore, #tpu.memory_space<semaphore_mem>>) attributes {dimension_semantics = [#tpu.dimension_semantics<core_parallel>, #tpu.dimension_semantics<subcore_parallel>], iteration_bounds = array<i64: 2, 16>, scalar_prefetch = 0 : i64, scratch_operands = 8 : i64, tpu.core_type = #tpu.core_type<sc_vector_subcore>, window_params = [{transform_indices = #map}, {transform_indices = #map}, {transform_indices = #map}, {transform_indices = #map1}, {transform_indices = #map1}]} {
    %mul3A = arith.constant 2 : i32
    %mul3A_0 = arith.muli %arg1, %mul3A : i32
    %add3A = arith.addi %mul3A_0, %arg0 : i32
    %mul3A_1 = arith.constant 512 : i32
    %mul3A_2 = arith.muli %add3A, %mul3A_1 : i32
    "tpu.region"() ({
      %run_scoped3A = tpu.sem_alloc : memref<!tpu.dma_semaphore, #tpu.memory_space<semaphore_mem>>
      %dma_start3A_182 = tpu.memref_slice %arg2[%mul3A_2] : memref<16384xi32, #tpu.memory_space<hbm>> -> memref<512xi32, #tpu.memory_space<hbm>>
      %dma_start3A_183 = tpu.memref_slice %arg2[%mul3A_2] : memref<16384xi32, #tpu.memory_space<hbm>> -> memref<512xi32, #tpu.memory_space<hbm>>
      tpu.enqueue_dma source(%dma_start3A_183 : memref<512xi32, #tpu.memory_space<hbm>>) target(%arg7 : memref<512xi32, #tpu.memory_space<vmem>>) target_semaphore(%run_scoped3A : memref<!tpu.dma_semaphore, #tpu.memory_space<semaphore_mem>>)
      %dma_wait3A_184 = tpu.memref_slice %arg2[%mul3A_2] : memref<16384xi32, #tpu.memory_space<hbm>> -> memref<512xi32, #tpu.memory_space<hbm>>
      %dma_wait3A_185 = tpu.memref_slice %arg2[%mul3A_2] : memref<16384xi32, #tpu.memory_space<hbm>> -> memref<512xi32, #tpu.memory_space<hbm>>
      tpu.wait_dma2 semaphore(%run_scoped3A : memref<!tpu.dma_semaphore, #tpu.memory_space<semaphore_mem>>) src(%dma_wait3A_185 : memref<512xi32, #tpu.memory_space<hbm>>) dst(%arg7 : memref<512xi32, #tpu.memory_space<vmem>>)
      tpu.yield
    }) : () -> ()
    "tpu.region"() ({
      %run_scoped3A = tpu.sem_alloc : memref<!tpu.dma_semaphore, #tpu.memory_space<semaphore_mem>>
      %dma_start3A_182 = tpu.memref_slice %arg3[%mul3A_2] : memref<16384xi32, #tpu.memory_space<hbm>> -> memref<512xi32, #tpu.memory_space<hbm>>
      %dma_start3A_183 = tpu.memref_slice %arg3[%mul3A_2] : memref<16384xi32, #tpu.memory_space<hbm>> -> memref<512xi32, #tpu.memory_space<hbm>>
      tpu.enqueue_dma source(%dma_start3A_183 : memref<512xi32, #tpu.memory_space<hbm>>) target(%arg8 : memref<512xi32, #tpu.memory_space<vmem>>) target_semaphore(%run_scoped3A : memref<!tpu.dma_semaphore, #tpu.memory_space<semaphore_mem>>)
      %dma_wait3A_184 = tpu.memref_slice %arg3[%mul3A_2] : memref<16384xi32, #tpu.memory_space<hbm>> -> memref<512xi32, #tpu.memory_space<hbm>>
      %dma_wait3A_185 = tpu.memref_slice %arg3[%mul3A_2] : memref<16384xi32, #tpu.memory_space<hbm>> -> memref<512xi32, #tpu.memory_space<hbm>>
      tpu.wait_dma2 semaphore(%run_scoped3A : memref<!tpu.dma_semaphore, #tpu.memory_space<semaphore_mem>>) src(%dma_wait3A_185 : memref<512xi32, #tpu.memory_space<hbm>>) dst(%arg8 : memref<512xi32, #tpu.memory_space<vmem>>)
      tpu.yield
    }) : () -> ()
    "tpu.region"() ({
      %run_scoped3A = tpu.sem_alloc : memref<!tpu.dma_semaphore, #tpu.memory_space<semaphore_mem>>
      tpu.enqueue_dma source(%arg4 : memref<64xi32, #tpu.memory_space<hbm>>) target(%arg9 : memref<64xi32, #tpu.memory_space<vmem>>) target_semaphore(%run_scoped3A : memref<!tpu.dma_semaphore, #tpu.memory_space<semaphore_mem>>)
      tpu.wait_dma2 semaphore(%run_scoped3A : memref<!tpu.dma_semaphore, #tpu.memory_space<semaphore_mem>>) src(%arg4 : memref<64xi32, #tpu.memory_space<hbm>>) dst(%arg9 : memref<64xi32, #tpu.memory_space<vmem>>)
      tpu.yield
    }) : () -> ()
    %get3A = arith.constant 0 : index
    %get3A_3 = tpu.vector_load %arg9[%get3A] {strides = array<i32>} : memref<64xi32, #tpu.memory_space<vmem>>, vector<16xi32>,
    %get3A_4 = arith.constant 16 : index
    %get3A_5 = tpu.vector_load %arg9[%get3A_4] {strides = array<i32>} : memref<64xi32, #tpu.memory_space<vmem>>, vector<16xi32>,
    %get3A_6 = arith.constant 32 : index
    %get3A_7 = tpu.vector_load %arg9[%get3A_6] {strides = array<i32>} : memref<64xi32, #tpu.memory_space<vmem>>, vector<16xi32>,
    %get3A_8 = arith.constant 48 : index
    %get3A_9 = tpu.vector_load %arg9[%get3A_8] {strides = array<i32>} : memref<64xi32, #tpu.memory_space<vmem>>, vector<16xi32>,
    %iota3A = tpu.iota {dimensions = array<i32: 0>} : vector<16xi32>
    %shift_right_arithmetic3A = arith.constant 3 : i32
    %shift_right_arithmetic3A_10 = vector.broadcast %shift_right_arithmetic3A : i32 to vector<16xi32>
    %shift_right_arithmetic3A_11 = arith.shrsi %iota3A, %shift_right_arithmetic3A_10 : vector<16xi32>
    %while3A = arith.constant 0 : i32
    %while3A_12 = arith.constant 0 : i32
    %while3A_13 = arith.constant 256 : i32
    %while3A_14 = arith.subi %while3A_13, %while3A_12 : i32
    %while3A_15 = arith.addi %while3A_12, %while3A_14 : i32
    %while3A_16 = arith.constant 1 : i32
    %while3A_17 = arith.divsi %while3A_14, %while3A_16 : i32
    %while3A_18 = arith.muli %while3A_17, %while3A_16 : i32
    %while3A_19 = arith.addi %while3A_12, %while3A_18 : i32
    %while3A_20 = arith.constant 1 : i32
    scf.for %while3A_182 = %while3A_12 to %while3A_19 step %while3A_20  : i32 {
      %mul3A_183 = arith.constant 2 : i32
      %mul3A_184 = arith.muli %mul3A_183, %while3A_182 : i32
      %add3A_185 = vector.broadcast %mul3A_184 : i32 to vector<16xi32>
      %add3A_186 = arith.addi %shift_right_arithmetic3A_11, %add3A_185 : vector<16xi32>
      %gather3A = tpu.vector_load_idx %arg7[%add3A_186] : memref<512xi32, #tpu.memory_space<vmem>>[vector<16xi32>], vector<16xi32>,
      %gather3A_187 = tpu.vector_load_idx %arg8[%add3A_186] : memref<512xi32, #tpu.memory_space<vmem>>[vector<16xi32>], vector<16xi32>,
      %mul3A_188 = arith.muli %gather3A, %get3A_3 : vector<16xi32>
      %convert_element_type3A = arith.sitofp %mul3A_188 : vector<16xi32> to vector<16xf32>
      %mul3A_189 = arith.constant 1.24996245E-6 : f32
      %mul3A_190 = vector.broadcast %mul3A_189 : f32 to vector<16xf32>
      %mul3A_191 = arith.mulf %convert_element_type3A, %mul3A_190 : vector<16xf32>
      %convert_element_type3A_192 = arith.fptosi %mul3A_191 : vector<16xf32> to vector<16xi32>
      %mul3A_193 = arith.constant 800024 : i32
      %mul3A_194 = vector.broadcast %mul3A_193 : i32 to vector<16xi32>
      %mul3A_195 = arith.muli %convert_element_type3A_192, %mul3A_194 : vector<16xi32>
      %sub3A = arith.subi %mul3A_188, %mul3A_195 : vector<16xi32>
      %lt3A = arith.constant 0 : i32
      %lt3A_196 = vector.broadcast %lt3A : i32 to vector<16xi32>
      %lt3A_197 = arith.cmpi slt, %sub3A, %lt3A_196 : vector<16xi32>
      %add3A_198 = arith.constant 800024 : i32
      %add3A_199 = vector.broadcast %add3A_198 : i32 to vector<16xi32>
      %add3A_200 = arith.addi %sub3A, %add3A_199 : vector<16xi32>
      %select_n3A = arith.select %lt3A_197, %add3A_200, %sub3A : vector<16xi1>, vector<16xi32>
      %ge3A = arith.constant 800024 : i32
      %ge3A_201 = vector.broadcast %ge3A : i32 to vector<16xi32>
      %ge3A_202 = arith.cmpi sge, %select_n3A, %ge3A_201 : vector<16xi32>
      %sub3A_203 = arith.constant 800024 : i32
      %sub3A_204 = vector.broadcast %sub3A_203 : i32 to vector<16xi32>
      %sub3A_205 = arith.subi %select_n3A, %sub3A_204 : vector<16xi32>
      %select_n3A_206 = arith.select %ge3A_202, %sub3A_205, %select_n3A : vector<16xi1>, vector<16xi32>
      %mul3A_207 = arith.constant 1024 : i32
      %mul3A_208 = vector.broadcast %mul3A_207 : i32 to vector<16xi32>
      %mul3A_209 = arith.muli %select_n3A_206, %mul3A_208 : vector<16xi32>
      %convert_element_type3A_210 = arith.sitofp %mul3A_209 : vector<16xi32> to vector<16xf32>
      %mul3A_211 = arith.constant 1.24996245E-6 : f32
      %mul3A_212 = vector.broadcast %mul3A_211 : f32 to vector<16xf32>
      %mul3A_213 = arith.mulf %convert_element_type3A_210, %mul3A_212 : vector<16xf32>
      %convert_element_type3A_214 = arith.fptosi %mul3A_213 : vector<16xf32> to vector<16xi32>
      %mul3A_215 = arith.constant 800024 : i32
      %mul3A_216 = vector.broadcast %mul3A_215 : i32 to vector<16xi32>
      %mul3A_217 = arith.muli %convert_element_type3A_214, %mul3A_216 : vector<16xi32>
      %sub3A_218 = arith.subi %mul3A_209, %mul3A_217 : vector<16xi32>
      %lt3A_219 = arith.constant 0 : i32
      %lt3A_220 = vector.broadcast %lt3A_219 : i32 to vector<16xi32>
      %lt3A_221 = arith.cmpi slt, %sub3A_218, %lt3A_220 : vector<16xi32>
      %add3A_222 = arith.constant 800024 : i32
      %add3A_223 = vector.broadcast %add3A_222 : i32 to vector<16xi32>
      %add3A_224 = arith.addi %sub3A_218, %add3A_223 : vector<16xi32>
      %select_n3A_225 = arith.select %lt3A_221, %add3A_224, %sub3A_218 : vector<16xi1>, vector<16xi32>
      %ge3A_226 = arith.constant 800024 : i32
      %ge3A_227 = vector.broadcast %ge3A_226 : i32 to vector<16xi32>
      %ge3A_228 = arith.cmpi sge, %select_n3A_225, %ge3A_227 : vector<16xi32>
      %sub3A_229 = arith.constant 800024 : i32
      %sub3A_230 = vector.broadcast %sub3A_229 : i32 to vector<16xi32>
      %sub3A_231 = arith.subi %select_n3A_225, %sub3A_230 : vector<16xi32>
      %select_n3A_232 = arith.select %ge3A_228, %sub3A_231, %select_n3A_225 : vector<16xi1>, vector<16xi32>
      %mul3A_233 = arith.muli %gather3A, %get3A_5 : vector<16xi32>
      %add3A_234 = arith.addi %select_n3A_232, %mul3A_233 : vector<16xi32>
      %convert_element_type3A_235 = arith.sitofp %add3A_234 : vector<16xi32> to vector<16xf32>
      %mul3A_236 = arith.constant 1.24996245E-6 : f32
      %mul3A_237 = vector.broadcast %mul3A_236 : f32 to vector<16xf32>
      %mul3A_238 = arith.mulf %convert_element_type3A_235, %mul3A_237 : vector<16xf32>
      %convert_element_type3A_239 = arith.fptosi %mul3A_238 : vector<16xf32> to vector<16xi32>
      %mul3A_240 = arith.constant 800024 : i32
      %mul3A_241 = vector.broadcast %mul3A_240 : i32 to vector<16xi32>
      %mul3A_242 = arith.muli %convert_element_type3A_239, %mul3A_241 : vector<16xi32>
      %sub3A_243 = arith.subi %add3A_234, %mul3A_242 : vector<16xi32>
      %lt3A_244 = arith.constant 0 : i32
      %lt3A_245 = vector.broadcast %lt3A_244 : i32 to vector<16xi32>
      %lt3A_246 = arith.cmpi slt, %sub3A_243, %lt3A_245 : vector<16xi32>
      %add3A_247 = arith.constant 800024 : i32
      %add3A_248 = vector.broadcast %add3A_247 : i32 to vector<16xi32>
      %add3A_249 = arith.addi %sub3A_243, %add3A_248 : vector<16xi32>
      %select_n3A_250 = arith.select %lt3A_246, %add3A_249, %sub3A_243 : vector<16xi1>, vector<16xi32>
      %ge3A_251 = arith.constant 800024 : i32
      %ge3A_252 = vector.broadcast %ge3A_251 : i32 to vector<16xi32>
      %ge3A_253 = arith.cmpi sge, %select_n3A_250, %ge3A_252 : vector<16xi32>
      %sub3A_254 = arith.constant 800024 : i32
      %sub3A_255 = vector.broadcast %sub3A_254 : i32 to vector<16xi32>
      %sub3A_256 = arith.subi %select_n3A_250, %sub3A_255 : vector<16xi32>
      %select_n3A_257 = arith.select %ge3A_253, %sub3A_256, %select_n3A_250 : vector<16xi1>, vector<16xi32>
      %mul3A_258 = arith.muli %gather3A_187, %get3A_7 : vector<16xi32>
      %convert_element_type3A_259 = arith.sitofp %mul3A_258 : vector<16xi32> to vector<16xf32>
      %mul3A_260 = arith.constant 1.24996245E-6 : f32
      %mul3A_261 = vector.broadcast %mul3A_260 : f32 to vector<16xf32>
      %mul3A_262 = arith.mulf %convert_element_type3A_259, %mul3A_261 : vector<16xf32>
      %convert_element_type3A_263 = arith.fptosi %mul3A_262 : vector<16xf32> to vector<16xi32>
      %mul3A_264 = arith.constant 800024 : i32
      %mul3A_265 = vector.broadcast %mul3A_264 : i32 to vector<16xi32>
      %mul3A_266 = arith.muli %convert_element_type3A_263, %mul3A_265 : vector<16xi32>
      %sub3A_267 = arith.subi %mul3A_258, %mul3A_266 : vector<16xi32>
      %lt3A_268 = arith.constant 0 : i32
      %lt3A_269 = vector.broadcast %lt3A_268 : i32 to vector<16xi32>
      %lt3A_270 = arith.cmpi slt, %sub3A_267, %lt3A_269 : vector<16xi32>
      %add3A_271 = arith.constant 800024 : i32
      %add3A_272 = vector.broadcast %add3A_271 : i32 to vector<16xi32>
      %add3A_273 = arith.addi %sub3A_267, %add3A_272 : vector<16xi32>
      %select_n3A_274 = arith.select %lt3A_270, %add3A_273, %sub3A_267 : vector<16xi1>, vector<16xi32>
      %ge3A_275 = arith.constant 800024 : i32
      %ge3A_276 = vector.broadcast %ge3A_275 : i32 to vector<16xi32>
      %ge3A_277 = arith.cmpi sge, %select_n3A_274, %ge3A_276 : vector<16xi32>
      %sub3A_278 = arith.constant 800024 : i32
      %sub3A_279 = vector.broadcast %sub3A_278 : i32 to vector<16xi32>
      %sub3A_280 = arith.subi %select_n3A_274, %sub3A_279 : vector<16xi32>
      %select_n3A_281 = arith.select %ge3A_277, %sub3A_280, %select_n3A_274 : vector<16xi1>, vector<16xi32>
      %mul3A_282 = arith.constant 1024 : i32
      %mul3A_283 = vector.broadcast %mul3A_282 : i32 to vector<16xi32>
      %mul3A_284 = arith.muli %select_n3A_281, %mul3A_283 : vector<16xi32>
      %convert_element_type3A_285 = arith.sitofp %mul3A_284 : vector<16xi32> to vector<16xf32>
      %mul3A_286 = arith.constant 1.24996245E-6 : f32
      %mul3A_287 = vector.broadcast %mul3A_286 : f32 to vector<16xf32>
      %mul3A_288 = arith.mulf %convert_element_type3A_285, %mul3A_287 : vector<16xf32>
      %convert_element_type3A_289 = arith.fptosi %mul3A_288 : vector<16xf32> to vector<16xi32>
      %mul3A_290 = arith.constant 800024 : i32
      %mul3A_291 = vector.broadcast %mul3A_290 : i32 to vector<16xi32>
      %mul3A_292 = arith.muli %convert_element_type3A_289, %mul3A_291 : vector<16xi32>
      %sub3A_293 = arith.subi %mul3A_284, %mul3A_292 : vector<16xi32>
      %lt3A_294 = arith.constant 0 : i32
      %lt3A_295 = vector.broadcast %lt3A_294 : i32 to vector<16xi32>
      %lt3A_296 = arith.cmpi slt, %sub3A_293, %lt3A_295 : vector<16xi32>
      %add3A_297 = arith.constant 800024 : i32
      %add3A_298 = vector.broadcast %add3A_297 : i32 to vector<16xi32>
      %add3A_299 = arith.addi %sub3A_293, %add3A_298 : vector<16xi32>
      %select_n3A_300 = arith.select %lt3A_296, %add3A_299, %sub3A_293 : vector<16xi1>, vector<16xi32>
      %ge3A_301 = arith.constant 800024 : i32
      %ge3A_302 = vector.broadcast %ge3A_301 : i32 to vector<16xi32>
      %ge3A_303 = arith.cmpi sge, %select_n3A_300, %ge3A_302 : vector<16xi32>
      %sub3A_304 = arith.constant 800024 : i32
      %sub3A_305 = vector.broadcast %sub3A_304 : i32 to vector<16xi32>
      %sub3A_306 = arith.subi %select_n3A_300, %sub3A_305 : vector<16xi32>
      %select_n3A_307 = arith.select %ge3A_303, %sub3A_306, %select_n3A_300 : vector<16xi1>, vector<16xi32>
      %mul3A_308 = arith.muli %gather3A_187, %get3A_9 : vector<16xi32>
      %add3A_309 = arith.addi %select_n3A_307, %mul3A_308 : vector<16xi32>
      %convert_element_type3A_310 = arith.sitofp %add3A_309 : vector<16xi32> to vector<16xf32>
      %mul3A_311 = arith.constant 1.24996245E-6 : f32
      %mul3A_312 = vector.broadcast %mul3A_311 : f32 to vector<16xf32>
      %mul3A_313 = arith.mulf %convert_element_type3A_310, %mul3A_312 : vector<16xf32>
      %convert_element_type3A_314 = arith.fptosi %mul3A_313 : vector<16xf32> to vector<16xi32>
      %mul3A_315 = arith.constant 800024 : i32
      %mul3A_316 = vector.broadcast %mul3A_315 : i32 to vector<16xi32>
      %mul3A_317 = arith.muli %convert_element_type3A_314, %mul3A_316 : vector<16xi32>
      %sub3A_318 = arith.subi %add3A_309, %mul3A_317 : vector<16xi32>
      %lt3A_319 = arith.constant 0 : i32
      %lt3A_320 = vector.broadcast %lt3A_319 : i32 to vector<16xi32>
      %lt3A_321 = arith.cmpi slt, %sub3A_318, %lt3A_320 : vector<16xi32>
      %add3A_322 = arith.constant 800024 : i32
      %add3A_323 = vector.broadcast %add3A_322 : i32 to vector<16xi32>
      %add3A_324 = arith.addi %sub3A_318, %add3A_323 : vector<16xi32>
      %select_n3A_325 = arith.select %lt3A_321, %add3A_324, %sub3A_318 : vector<16xi1>, vector<16xi32>
      %ge3A_326 = arith.constant 800024 : i32
      %ge3A_327 = vector.broadcast %ge3A_326 : i32 to vector<16xi32>
      %ge3A_328 = arith.cmpi sge, %select_n3A_325, %ge3A_327 : vector<16xi32>
      %sub3A_329 = arith.constant 800024 : i32
      %sub3A_330 = vector.broadcast %sub3A_329 : i32 to vector<16xi32>
      %sub3A_331 = arith.subi %select_n3A_325, %sub3A_330 : vector<16xi32>
      %select_n3A_332 = arith.select %ge3A_328, %sub3A_331, %select_n3A_325 : vector<16xi1>, vector<16xi32>
      %add3A_333 = arith.addi %select_n3A_257, %select_n3A_332 : vector<16xi32>
      %ge3A_334 = arith.constant 800024 : i32
      %ge3A_335 = vector.broadcast %ge3A_334 : i32 to vector<16xi32>
      %ge3A_336 = arith.cmpi sge, %add3A_333, %ge3A_335 : vector<16xi32>
      %sub3A_337 = arith.constant 800024 : i32
      %sub3A_338 = vector.broadcast %sub3A_337 : i32 to vector<16xi32>
      %sub3A_339 = arith.subi %add3A_333, %sub3A_338 : vector<16xi32>
      %select_n3A_340 = arith.select %ge3A_336, %sub3A_339, %add3A_333 : vector<16xi1>, vector<16xi32>
      %mul3A_341 = arith.constant 16 : i32
      %mul3A_342 = arith.muli %while3A_182, %mul3A_341 : i32
      %swap3A = arith.index_cast %mul3A_342 : i32 to index
      %swap3A_343 = tpu.vector_load %arg10[%swap3A] {strides = array<i32>} : memref<4096xi32, #tpu.memory_space<vmem>>, vector<16xi32>,
      tpu.vector_store %arg10[%swap3A], %select_n3A_340 {strides = array<i32>} : memref<4096xi32, #tpu.memory_space<vmem>>, vector<16xi32>,
    }
    %while3A_21 = arith.constant 1 : i32
    scf.for %while3A_182 = %while3A_19 to %while3A_15 step %while3A_21  : i32 {
      %mul3A_183 = arith.constant 2 : i32
      %mul3A_184 = arith.muli %mul3A_183, %while3A_182 : i32
      %add3A_185 = vector.broadcast %mul3A_184 : i32 to vector<16xi32>
      %add3A_186 = arith.addi %shift_right_arithmetic3A_11, %add3A_185 : vector<16xi32>
      %gather3A = tpu.vector_load_idx %arg7[%add3A_186] : memref<512xi32, #tpu.memory_space<vmem>>[vector<16xi32>], vector<16xi32>,
      %gather3A_187 = tpu.vector_load_idx %arg8[%add3A_186] : memref<512xi32, #tpu.memory_space<vmem>>[vector<16xi32>], vector<16xi32>,
      %mul3A_188 = arith.muli %gather3A, %get3A_3 : vector<16xi32>
      %convert_element_type3A = arith.sitofp %mul3A_188 : vector<16xi32> to vector<16xf32>
      %mul3A_189 = arith.constant 1.24996245E-6 : f32
      %mul3A_190 = vector.broadcast %mul3A_189 : f32 to vector<16xf32>
      %mul3A_191 = arith.mulf %convert_element_type3A, %mul3A_190 : vector<16xf32>
      %convert_element_type3A_192 = arith.fptosi %mul3A_191 : vector<16xf32> to vector<16xi32>
      %mul3A_193 = arith.constant 800024 : i32
      %mul3A_194 = vector.broadcast %mul3A_193 : i32 to vector<16xi32>
      %mul3A_195 = arith.muli %convert_element_type3A_192, %mul3A_194 : vector<16xi32>
      %sub3A = arith.subi %mul3A_188, %mul3A_195 : vector<16xi32>
      %lt3A = arith.constant 0 : i32
      %lt3A_196 = vector.broadcast %lt3A : i32 to vector<16xi32>
      %lt3A_197 = arith.cmpi slt, %sub3A, %lt3A_196 : vector<16xi32>
      %add3A_198 = arith.constant 800024 : i32
      %add3A_199 = vector.broadcast %add3A_198 : i32 to vector<16xi32>
      %add3A_200 = arith.addi %sub3A, %add3A_199 : vector<16xi32>
      %select_n3A = arith.select %lt3A_197, %add3A_200, %sub3A : vector<16xi1>, vector<16xi32>
      %ge3A = arith.constant 800024 : i32
      %ge3A_201 = vector.broadcast %ge3A : i32 to vector<16xi32>
      %ge3A_202 = arith.cmpi sge, %select_n3A, %ge3A_201 : vector<16xi32>
      %sub3A_203 = arith.constant 800024 : i32
      %sub3A_204 = vector.broadcast %sub3A_203 : i32 to vector<16xi32>
      %sub3A_205 = arith.subi %select_n3A, %sub3A_204 : vector<16xi32>
      %select_n3A_206 = arith.select %ge3A_202, %sub3A_205, %select_n3A : vector<16xi1>, vector<16xi32>
      %mul3A_207 = arith.constant 1024 : i32
      %mul3A_208 = vector.broadcast %mul3A_207 : i32 to vector<16xi32>
      %mul3A_209 = arith.muli %select_n3A_206, %mul3A_208 : vector<16xi32>
      %convert_element_type3A_210 = arith.sitofp %mul3A_209 : vector<16xi32> to vector<16xf32>
      %mul3A_211 = arith.constant 1.24996245E-6 : f32
      %mul3A_212 = vector.broadcast %mul3A_211 : f32 to vector<16xf32>
      %mul3A_213 = arith.mulf %convert_element_type3A_210, %mul3A_212 : vector<16xf32>
      %convert_element_type3A_214 = arith.fptosi %mul3A_213 : vector<16xf32> to vector<16xi32>
      %mul3A_215 = arith.constant 800024 : i32
      %mul3A_216 = vector.broadcast %mul3A_215 : i32 to vector<16xi32>
      %mul3A_217 = arith.muli %convert_element_type3A_214, %mul3A_216 : vector<16xi32>
      %sub3A_218 = arith.subi %mul3A_209, %mul3A_217 : vector<16xi32>
      %lt3A_219 = arith.constant 0 : i32
      %lt3A_220 = vector.broadcast %lt3A_219 : i32 to vector<16xi32>
      %lt3A_221 = arith.cmpi slt, %sub3A_218, %lt3A_220 : vector<16xi32>
      %add3A_222 = arith.constant 800024 : i32
      %add3A_223 = vector.broadcast %add3A_222 : i32 to vector<16xi32>
      %add3A_224 = arith.addi %sub3A_218, %add3A_223 : vector<16xi32>
      %select_n3A_225 = arith.select %lt3A_221, %add3A_224, %sub3A_218 : vector<16xi1>, vector<16xi32>
      %ge3A_226 = arith.constant 800024 : i32
      %ge3A_227 = vector.broadcast %ge3A_226 : i32 to vector<16xi32>
      %ge3A_228 = arith.cmpi sge, %select_n3A_225, %ge3A_227 : vector<16xi32>
      %sub3A_229 = arith.constant 800024 : i32
      %sub3A_230 = vector.broadcast %sub3A_229 : i32 to vector<16xi32>
      %sub3A_231 = arith.subi %select_n3A_225, %sub3A_230 : vector<16xi32>
      %select_n3A_232 = arith.select %ge3A_228, %sub3A_231, %select_n3A_225 : vector<16xi1>, vector<16xi32>
      %mul3A_233 = arith.muli %gather3A, %get3A_5 : vector<16xi32>
      %add3A_234 = arith.addi %select_n3A_232, %mul3A_233 : vector<16xi32>
      %convert_element_type3A_235 = arith.sitofp %add3A_234 : vector<16xi32> to vector<16xf32>
      %mul3A_236 = arith.constant 1.24996245E-6 : f32
      %mul3A_237 = vector.broadcast %mul3A_236 : f32 to vector<16xf32>
      %mul3A_238 = arith.mulf %convert_element_type3A_235, %mul3A_237 : vector<16xf32>
      %convert_element_type3A_239 = arith.fptosi %mul3A_238 : vector<16xf32> to vector<16xi32>
      %mul3A_240 = arith.constant 800024 : i32
      %mul3A_241 = vector.broadcast %mul3A_240 : i32 to vector<16xi32>
      %mul3A_242 = arith.muli %convert_element_type3A_239, %mul3A_241 : vector<16xi32>
      %sub3A_243 = arith.subi %add3A_234, %mul3A_242 : vector<16xi32>
      %lt3A_244 = arith.constant 0 : i32
      %lt3A_245 = vector.broadcast %lt3A_244 : i32 to vector<16xi32>
      %lt3A_246 = arith.cmpi slt, %sub3A_243, %lt3A_245 : vector<16xi32>
      %add3A_247 = arith.constant 800024 : i32
      %add3A_248 = vector.broadcast %add3A_247 : i32 to vector<16xi32>
      %add3A_249 = arith.addi %sub3A_243, %add3A_248 : vector<16xi32>
      %select_n3A_250 = arith.select %lt3A_246, %add3A_249, %sub3A_243 : vector<16xi1>, vector<16xi32>
      %ge3A_251 = arith.constant 800024 : i32
      %ge3A_252 = vector.broadcast %ge3A_251 : i32 to vector<16xi32>
      %ge3A_253 = arith.cmpi sge, %select_n3A_250, %ge3A_252 : vector<16xi32>
      %sub3A_254 = arith.constant 800024 : i32
      %sub3A_255 = vector.broadcast %sub3A_254 : i32 to vector<16xi32>
      %sub3A_256 = arith.subi %select_n3A_250, %sub3A_255 : vector<16xi32>
      %select_n3A_257 = arith.select %ge3A_253, %sub3A_256, %select_n3A_250 : vector<16xi1>, vector<16xi32>
      %mul3A_258 = arith.muli %gather3A_187, %get3A_7 : vector<16xi32>
      %convert_element_type3A_259 = arith.sitofp %mul3A_258 : vector<16xi32> to vector<16xf32>
      %mul3A_260 = arith.constant 1.24996245E-6 : f32
      %mul3A_261 = vector.broadcast %mul3A_260 : f32 to vector<16xf32>
      %mul3A_262 = arith.mulf %convert_element_type3A_259, %mul3A_261 : vector<16xf32>
      %convert_element_type3A_263 = arith.fptosi %mul3A_262 : vector<16xf32> to vector<16xi32>
      %mul3A_264 = arith.constant 800024 : i32
      %mul3A_265 = vector.broadcast %mul3A_264 : i32 to vector<16xi32>
      %mul3A_266 = arith.muli %convert_element_type3A_263, %mul3A_265 : vector<16xi32>
      %sub3A_267 = arith.subi %mul3A_258, %mul3A_266 : vector<16xi32>
      %lt3A_268 = arith.constant 0 : i32
      %lt3A_269 = vector.broadcast %lt3A_268 : i32 to vector<16xi32>
      %lt3A_270 = arith.cmpi slt, %sub3A_267, %lt3A_269 : vector<16xi32>
      %add3A_271 = arith.constant 800024 : i32
      %add3A_272 = vector.broadcast %add3A_271 : i32 to vector<16xi32>
      %add3A_273 = arith.addi %sub3A_267, %add3A_272 : vector<16xi32>
      %select_n3A_274 = arith.select %lt3A_270, %add3A_273, %sub3A_267 : vector<16xi1>, vector<16xi32>
      %ge3A_275 = arith.constant 800024 : i32
      %ge3A_276 = vector.broadcast %ge3A_275 : i32 to vector<16xi32>
      %ge3A_277 = arith.cmpi sge, %select_n3A_274, %ge3A_276 : vector<16xi32>
      %sub3A_278 = arith.constant 800024 : i32
      %sub3A_279 = vector.broadcast %sub3A_278 : i32 to vector<16xi32>
      %sub3A_280 = arith.subi %select_n3A_274, %sub3A_279 : vector<16xi32>
      %select_n3A_281 = arith.select %ge3A_277, %sub3A_280, %select_n3A_274 : vector<16xi1>, vector<16xi32>
      %mul3A_282 = arith.constant 1024 : i32
      %mul3A_283 = vector.broadcast %mul3A_282 : i32 to vector<16xi32>
      %mul3A_284 = arith.muli %select_n3A_281, %mul3A_283 : vector<16xi32>
      %convert_element_type3A_285 = arith.sitofp %mul3A_284 : vector<16xi32> to vector<16xf32>
      %mul3A_286 = arith.constant 1.24996245E-6 : f32
      %mul3A_287 = vector.broadcast %mul3A_286 : f32 to vector<16xf32>
      %mul3A_288 = arith.mulf %convert_element_type3A_285, %mul3A_287 : vector<16xf32>
      %convert_element_type3A_289 = arith.fptosi %mul3A_288 : vector<16xf32> to vector<16xi32>
      %mul3A_290 = arith.constant 800024 : i32
      %mul3A_291 = vector.broadcast %mul3A_290 : i32 to vector<16xi32>
      %mul3A_292 = arith.muli %convert_element_type3A_289, %mul3A_291 : vector<16xi32>
      %sub3A_293 = arith.subi %mul3A_284, %mul3A_292 : vector<16xi32>
      %lt3A_294 = arith.constant 0 : i32
      %lt3A_295 = vector.broadcast %lt3A_294 : i32 to vector<16xi32>
      %lt3A_296 = arith.cmpi slt, %sub3A_293, %lt3A_295 : vector<16xi32>
      %add3A_297 = arith.constant 800024 : i32
      %add3A_298 = vector.broadcast %add3A_297 : i32 to vector<16xi32>
      %add3A_299 = arith.addi %sub3A_293, %add3A_298 : vector<16xi32>
      %select_n3A_300 = arith.select %lt3A_296, %add3A_299, %sub3A_293 : vector<16xi1>, vector<16xi32>
      %ge3A_301 = arith.constant 800024 : i32
      %ge3A_302 = vector.broadcast %ge3A_301 : i32 to vector<16xi32>
      %ge3A_303 = arith.cmpi sge, %select_n3A_300, %ge3A_302 : vector<16xi32>
      %sub3A_304 = arith.constant 800024 : i32
      %sub3A_305 = vector.broadcast %sub3A_304 : i32 to vector<16xi32>
      %sub3A_306 = arith.subi %select_n3A_300, %sub3A_305 : vector<16xi32>
      %select_n3A_307 = arith.select %ge3A_303, %sub3A_306, %select_n3A_300 : vector<16xi1>, vector<16xi32>
      %mul3A_308 = arith.muli %gather3A_187, %get3A_9 : vector<16xi32>
      %add3A_309 = arith.addi %select_n3A_307, %mul3A_308 : vector<16xi32>
      %convert_element_type3A_310 = arith.sitofp %add3A_309 : vector<16xi32> to vector<16xf32>
      %mul3A_311 = arith.constant 1.24996245E-6 : f32
      %mul3A_312 = vector.broadcast %mul3A_311 : f32 to vector<16xf32>
      %mul3A_313 = arith.mulf %convert_element_type3A_310, %mul3A_312 : vector<16xf32>
      %convert_element_type3A_314 = arith.fptosi %mul3A_313 : vector<16xf32> to vector<16xi32>
      %mul3A_315 = arith.constant 800024 : i32
      %mul3A_316 = vector.broadcast %mul3A_315 : i32 to vector<16xi32>
      %mul3A_317 = arith.muli %convert_element_type3A_314, %mul3A_316 : vector<16xi32>
      %sub3A_318 = arith.subi %add3A_309, %mul3A_317 : vector<16xi32>
      %lt3A_319 = arith.constant 0 : i32
      %lt3A_320 = vector.broadcast %lt3A_319 : i32 to vector<16xi32>
      %lt3A_321 = arith.cmpi slt, %sub3A_318, %lt3A_320 : vector<16xi32>
      %add3A_322 = arith.constant 800024 : i32
      %add3A_323 = vector.broadcast %add3A_322 : i32 to vector<16xi32>
      %add3A_324 = arith.addi %sub3A_318, %add3A_323 : vector<16xi32>
      %select_n3A_325 = arith.select %lt3A_321, %add3A_324, %sub3A_318 : vector<16xi1>, vector<16xi32>
      %ge3A_326 = arith.constant 800024 : i32
      %ge3A_327 = vector.broadcast %ge3A_326 : i32 to vector<16xi32>
      %ge3A_328 = arith.cmpi sge, %select_n3A_325, %ge3A_327 : vector<16xi32>
      %sub3A_329 = arith.constant 800024 : i32
      %sub3A_330 = vector.broadcast %sub3A_329 : i32 to vector<16xi32>
      %sub3A_331 = arith.subi %select_n3A_325, %sub3A_330 : vector<16xi32>
      %select_n3A_332 = arith.select %ge3A_328, %sub3A_331, %select_n3A_325 : vector<16xi1>, vector<16xi32>
      %add3A_333 = arith.addi %select_n3A_257, %select_n3A_332 : vector<16xi32>
      %ge3A_334 = arith.constant 800024 : i32
      %ge3A_335 = vector.broadcast %ge3A_334 : i32 to vector<16xi32>
      %ge3A_336 = arith.cmpi sge, %add3A_333, %ge3A_335 : vector<16xi32>
      %sub3A_337 = arith.constant 800024 : i32
      %sub3A_338 = vector.broadcast %sub3A_337 : i32 to vector<16xi32>
      %sub3A_339 = arith.subi %add3A_333, %sub3A_338 : vector<16xi32>
      %select_n3A_340 = arith.select %ge3A_336, %sub3A_339, %add3A_333 : vector<16xi1>, vector<16xi32>
      %mul3A_341 = arith.constant 16 : i32
      %mul3A_342 = arith.muli %while3A_182, %mul3A_341 : i32
      %swap3A = arith.index_cast %mul3A_342 : i32 to index
      %swap3A_343 = tpu.vector_load %arg10[%swap3A] {strides = array<i32>} : memref<4096xi32, #tpu.memory_space<vmem>>, vector<16xi32>,
      tpu.vector_store %arg10[%swap3A], %select_n3A_340 {strides = array<i32>} : memref<4096xi32, #tpu.memory_space<vmem>>, vector<16xi32>,
    }
    %mul3A_22 = arith.constant 4096 : i32
    %mul3A_23 = arith.muli %add3A, %mul3A_22 : i32
    %dma_start3A = arith.constant 0 : i32
    %dma_start3A_24 = tpu.memref_slice %arg10[%dma_start3A] : memref<4096xi32, #tpu.memory_space<vmem>> -> memref<512xi32, #tpu.memory_space<vmem>>
    %dma_start3A_25 = arith.constant 0 : i32
    %dma_start3A_26 = arith.constant 0 : i32
    %dma_start3A_27 = tpu.memref_slice %arg5[%dma_start3A_25, %dma_start3A_26] : memref<800024x64xf32, #tpu.memory_space<hbm>> -> memref<800024x64xf32, #tpu.memory_space<hbm>>
    tpu.enqueue_indirect_dma source(%dma_start3A_27 : memref<800024x64xf32, #tpu.memory_space<hbm>>) target(%arg11 : memref<512x64xf32, #tpu.memory_space<vmem>>) offsets(%dma_start3A_24 : memref<512xi32, #tpu.memory_space<vmem>>) semaphore(%arg13 : memref<!tpu.dma_semaphore, #tpu.memory_space<semaphore_mem>>)
    %dma_wait3A = arith.constant 0 : i32
    %dma_wait3A_28 = tpu.memref_slice %arg10[%dma_wait3A] : memref<4096xi32, #tpu.memory_space<vmem>> -> memref<512xi32, #tpu.memory_space<vmem>>
    %dma_wait3A_29 = arith.constant 0 : i32
    %dma_wait3A_30 = arith.constant 0 : i32
    %dma_wait3A_31 = tpu.memref_slice %arg5[%dma_wait3A_29, %dma_wait3A_30] : memref<800024x64xf32, #tpu.memory_space<hbm>> -> memref<800024x64xf32, #tpu.memory_space<hbm>>
    tpu.wait_indirect_dma semaphore(%arg13 : memref<!tpu.dma_semaphore, #tpu.memory_space<semaphore_mem>>) src(%dma_wait3A_31 : memref<800024x64xf32, #tpu.memory_space<hbm>>) dst(%arg11 : memref<512x64xf32, #tpu.memory_space<vmem>>)
    %dma_start3A_32 = arith.constant 512 : i32
    %dma_start3A_33 = tpu.memref_slice %arg10[%dma_start3A_32] : memref<4096xi32, #tpu.memory_space<vmem>> -> memref<512xi32, #tpu.memory_space<vmem>>
    %dma_start3A_34 = arith.constant 0 : i32
    %dma_start3A_35 = arith.constant 0 : i32
    %dma_start3A_36 = tpu.memref_slice %arg5[%dma_start3A_34, %dma_start3A_35] : memref<800024x64xf32, #tpu.memory_space<hbm>> -> memref<800024x64xf32, #tpu.memory_space<hbm>>
    tpu.enqueue_indirect_dma source(%dma_start3A_36 : memref<800024x64xf32, #tpu.memory_space<hbm>>) target(%arg12 : memref<512x64xf32, #tpu.memory_space<vmem>>) offsets(%dma_start3A_33 : memref<512xi32, #tpu.memory_space<vmem>>) semaphore(%arg13 : memref<!tpu.dma_semaphore, #tpu.memory_space<semaphore_mem>>)
    %add3A_37 = arith.constant 0 : i32
    %add3A_38 = arith.addi %mul3A_23, %add3A_37 : i32
    %dma_start3A_39 = arith.constant 0 : i32
    %dma_start3A_40 = tpu.memref_slice %arg6[%add3A_38, %dma_start3A_39] : memref<131072x64xf32, #tpu.memory_space<hbm>> -> memref<512x64xf32, #tpu.memory_space<hbm>>
    %dma_start3A_41 = arith.constant 0 : i32
    %dma_start3A_42 = tpu.memref_slice %arg6[%add3A_38, %dma_start3A_41] : memref<131072x64xf32, #tpu.memory_space<hbm>> -> memref<512x64xf32, #tpu.memory_space<hbm>>
    tpu.enqueue_dma source(%arg11 : memref<512x64xf32, #tpu.memory_space<vmem>>) target(%dma_start3A_42 : memref<512x64xf32, #tpu.memory_space<hbm>>) target_semaphore(%arg14 : memref<!tpu.dma_semaphore, #tpu.memory_space<semaphore_mem>>)
    %dma_wait3A_43 = arith.constant 512 : i32
    %dma_wait3A_44 = tpu.memref_slice %arg10[%dma_wait3A_43] : memref<4096xi32, #tpu.memory_space<vmem>> -> memref<512xi32, #tpu.memory_space<vmem>>
    %dma_wait3A_45 = arith.constant 0 : i32
    %dma_wait3A_46 = arith.constant 0 : i32
    %dma_wait3A_47 = tpu.memref_slice %arg5[%dma_wait3A_45, %dma_wait3A_46] : memref<800024x64xf32, #tpu.memory_space<hbm>> -> memref<800024x64xf32, #tpu.memory_space<hbm>>
    tpu.wait_indirect_dma semaphore(%arg13 : memref<!tpu.dma_semaphore, #tpu.memory_space<semaphore_mem>>) src(%dma_wait3A_47 : memref<800024x64xf32, #tpu.memory_space<hbm>>) dst(%arg12 : memref<512x64xf32, #tpu.memory_space<vmem>>)
    %dma_wait3A_48 = arith.constant 0 : i32
    %dma_wait3A_49 = tpu.memref_slice %arg6[%add3A_38, %dma_wait3A_48] : memref<131072x64xf32, #tpu.memory_space<hbm>> -> memref<512x64xf32, #tpu.memory_space<hbm>>
    %dma_wait3A_50 = arith.constant 0 : i32
    %dma_wait3A_51 = tpu.memref_slice %arg6[%add3A_38, %dma_wait3A_50] : memref<131072x64xf32, #tpu.memory_space<hbm>> -> memref<512x64xf32, #tpu.memory_space<hbm>>
    tpu.wait_dma2 semaphore(%arg14 : memref<!tpu.dma_semaphore, #tpu.memory_space<semaphore_mem>>) src(%arg11 : memref<512x64xf32, #tpu.memory_space<vmem>>) dst(%dma_wait3A_51 : memref<512x64xf32, #tpu.memory_space<hbm>>)
    %dma_start3A_52 = arith.constant 1024 : i32
    %dma_start3A_53 = tpu.memref_slice %arg10[%dma_start3A_52] : memref<4096xi32, #tpu.memory_space<vmem>> -> memref<512xi32, #tpu.memory_space<vmem>>
    %dma_start3A_54 = arith.constant 0 : i32
    %dma_start3A_55 = arith.constant 0 : i32
    %dma_start3A_56 = tpu.memref_slice %arg5[%dma_start3A_54, %dma_start3A_55] : memref<800024x64xf32, #tpu.memory_space<hbm>> -> memref<800024x64xf32, #tpu.memory_space<hbm>>
    tpu.enqueue_indirect_dma source(%dma_start3A_56 : memref<800024x64xf32, #tpu.memory_space<hbm>>) target(%arg11 : memref<512x64xf32, #tpu.memory_space<vmem>>) offsets(%dma_start3A_53 : memref<512xi32, #tpu.memory_space<vmem>>) semaphore(%arg13 : memref<!tpu.dma_semaphore, #tpu.memory_space<semaphore_mem>>)
    %add3A_57 = arith.constant 512 : i32
    %add3A_58 = arith.addi %mul3A_23, %add3A_57 : i32
    %dma_start3A_59 = arith.constant 0 : i32
    %dma_start3A_60 = tpu.memref_slice %arg6[%add3A_58, %dma_start3A_59] : memref<131072x64xf32, #tpu.memory_space<hbm>> -> memref<512x64xf32, #tpu.memory_space<hbm>>
    %dma_start3A_61 = arith.constant 0 : i32
    %dma_start3A_62 = tpu.memref_slice %arg6[%add3A_58, %dma_start3A_61] : memref<131072x64xf32, #tpu.memory_space<hbm>> -> memref<512x64xf32, #tpu.memory_space<hbm>>
    tpu.enqueue_dma source(%arg12 : memref<512x64xf32, #tpu.memory_space<vmem>>) target(%dma_start3A_62 : memref<512x64xf32, #tpu.memory_space<hbm>>) target_semaphore(%arg14 : memref<!tpu.dma_semaphore, #tpu.memory_space<semaphore_mem>>)
    %dma_wait3A_63 = arith.constant 1024 : i32
    %dma_wait3A_64 = tpu.memref_slice %arg10[%dma_wait3A_63] : memref<4096xi32, #tpu.memory_space<vmem>> -> memref<512xi32, #tpu.memory_space<vmem>>
    %dma_wait3A_65 = arith.constant 0 : i32
    %dma_wait3A_66 = arith.constant 0 : i32
    %dma_wait3A_67 = tpu.memref_slice %arg5[%dma_wait3A_65, %dma_wait3A_66] : memref<800024x64xf32, #tpu.memory_space<hbm>> -> memref<800024x64xf32, #tpu.memory_space<hbm>>
    tpu.wait_indirect_dma semaphore(%arg13 : memref<!tpu.dma_semaphore, #tpu.memory_space<semaphore_mem>>) src(%dma_wait3A_67 : memref<800024x64xf32, #tpu.memory_space<hbm>>) dst(%arg11 : memref<512x64xf32, #tpu.memory_space<vmem>>)
    %dma_wait3A_68 = arith.constant 0 : i32
    %dma_wait3A_69 = tpu.memref_slice %arg6[%add3A_58, %dma_wait3A_68] : memref<131072x64xf32, #tpu.memory_space<hbm>> -> memref<512x64xf32, #tpu.memory_space<hbm>>
    %dma_wait3A_70 = arith.constant 0 : i32
    %dma_wait3A_71 = tpu.memref_slice %arg6[%add3A_58, %dma_wait3A_70] : memref<131072x64xf32, #tpu.memory_space<hbm>> -> memref<512x64xf32, #tpu.memory_space<hbm>>
    tpu.wait_dma2 semaphore(%arg14 : memref<!tpu.dma_semaphore, #tpu.memory_space<semaphore_mem>>) src(%arg12 : memref<512x64xf32, #tpu.memory_space<vmem>>) dst(%dma_wait3A_71 : memref<512x64xf32, #tpu.memory_space<hbm>>)
    %dma_start3A_72 = arith.constant 1536 : i32
    %dma_start3A_73 = tpu.memref_slice %arg10[%dma_start3A_72] : memref<4096xi32, #tpu.memory_space<vmem>> -> memref<512xi32, #tpu.memory_space<vmem>>
    %dma_start3A_74 = arith.constant 0 : i32
    %dma_start3A_75 = arith.constant 0 : i32
    %dma_start3A_76 = tpu.memref_slice %arg5[%dma_start3A_74, %dma_start3A_75] : memref<800024x64xf32, #tpu.memory_space<hbm>> -> memref<800024x64xf32, #tpu.memory_space<hbm>>
    tpu.enqueue_indirect_dma source(%dma_start3A_76 : memref<800024x64xf32, #tpu.memory_space<hbm>>) target(%arg12 : memref<512x64xf32, #tpu.memory_space<vmem>>) offsets(%dma_start3A_73 : memref<512xi32, #tpu.memory_space<vmem>>) semaphore(%arg13 : memref<!tpu.dma_semaphore, #tpu.memory_space<semaphore_mem>>)
    %add3A_77 = arith.constant 1024 : i32
    %add3A_78 = arith.addi %mul3A_23, %add3A_77 : i32
    %dma_start3A_79 = arith.constant 0 : i32
    %dma_start3A_80 = tpu.memref_slice %arg6[%add3A_78, %dma_start3A_79] : memref<131072x64xf32, #tpu.memory_space<hbm>> -> memref<512x64xf32, #tpu.memory_space<hbm>>
    %dma_start3A_81 = arith.constant 0 : i32
    %dma_start3A_82 = tpu.memref_slice %arg6[%add3A_78, %dma_start3A_81] : memref<131072x64xf32, #tpu.memory_space<hbm>> -> memref<512x64xf32, #tpu.memory_space<hbm>>
    tpu.enqueue_dma source(%arg11 : memref<512x64xf32, #tpu.memory_space<vmem>>) target(%dma_start3A_82 : memref<512x64xf32, #tpu.memory_space<hbm>>) target_semaphore(%arg14 : memref<!tpu.dma_semaphore, #tpu.memory_space<semaphore_mem>>)
    %dma_wait3A_83 = arith.constant 1536 : i32
    %dma_wait3A_84 = tpu.memref_slice %arg10[%dma_wait3A_83] : memref<4096xi32, #tpu.memory_space<vmem>> -> memref<512xi32, #tpu.memory_space<vmem>>
    %dma_wait3A_85 = arith.constant 0 : i32
    %dma_wait3A_86 = arith.constant 0 : i32
    %dma_wait3A_87 = tpu.memref_slice %arg5[%dma_wait3A_85, %dma_wait3A_86] : memref<800024x64xf32, #tpu.memory_space<hbm>> -> memref<800024x64xf32, #tpu.memory_space<hbm>>
    tpu.wait_indirect_dma semaphore(%arg13 : memref<!tpu.dma_semaphore, #tpu.memory_space<semaphore_mem>>) src(%dma_wait3A_87 : memref<800024x64xf32, #tpu.memory_space<hbm>>) dst(%arg12 : memref<512x64xf32, #tpu.memory_space<vmem>>)
    %dma_wait3A_88 = arith.constant 0 : i32
    %dma_wait3A_89 = tpu.memref_slice %arg6[%add3A_78, %dma_wait3A_88] : memref<131072x64xf32, #tpu.memory_space<hbm>> -> memref<512x64xf32, #tpu.memory_space<hbm>>
    %dma_wait3A_90 = arith.constant 0 : i32
    %dma_wait3A_91 = tpu.memref_slice %arg6[%add3A_78, %dma_wait3A_90] : memref<131072x64xf32, #tpu.memory_space<hbm>> -> memref<512x64xf32, #tpu.memory_space<hbm>>
    tpu.wait_dma2 semaphore(%arg14 : memref<!tpu.dma_semaphore, #tpu.memory_space<semaphore_mem>>) src(%arg11 : memref<512x64xf32, #tpu.memory_space<vmem>>) dst(%dma_wait3A_91 : memref<512x64xf32, #tpu.memory_space<hbm>>)
    %dma_start3A_92 = arith.constant 2048 : i32
    %dma_start3A_93 = tpu.memref_slice %arg10[%dma_start3A_92] : memref<4096xi32, #tpu.memory_space<vmem>> -> memref<512xi32, #tpu.memory_space<vmem>>
    %dma_start3A_94 = arith.constant 0 : i32
    %dma_start3A_95 = arith.constant 0 : i32
    %dma_start3A_96 = tpu.memref_slice %arg5[%dma_start3A_94, %dma_start3A_95] : memref<800024x64xf32, #tpu.memory_space<hbm>> -> memref<800024x64xf32, #tpu.memory_space<hbm>>
    tpu.enqueue_indirect_dma source(%dma_start3A_96 : memref<800024x64xf32, #tpu.memory_space<hbm>>) target(%arg11 : memref<512x64xf32, #tpu.memory_space<vmem>>) offsets(%dma_start3A_93 : memref<512xi32, #tpu.memory_space<vmem>>) semaphore(%arg13 : memref<!tpu.dma_semaphore, #tpu.memory_space<semaphore_mem>>)
    %add3A_97 = arith.constant 1536 : i32
    %add3A_98 = arith.addi %mul3A_23, %add3A_97 : i32
    %dma_start3A_99 = arith.constant 0 : i32
    %dma_start3A_100 = tpu.memref_slice %arg6[%add3A_98, %dma_start3A_99] : memref<131072x64xf32, #tpu.memory_space<hbm>> -> memref<512x64xf32, #tpu.memory_space<hbm>>
    %dma_start3A_101 = arith.constant 0 : i32
    %dma_start3A_102 = tpu.memref_slice %arg6[%add3A_98, %dma_start3A_101] : memref<131072x64xf32, #tpu.memory_space<hbm>> -> memref<512x64xf32, #tpu.memory_space<hbm>>
    tpu.enqueue_dma source(%arg12 : memref<512x64xf32, #tpu.memory_space<vmem>>) target(%dma_start3A_102 : memref<512x64xf32, #tpu.memory_space<hbm>>) target_semaphore(%arg14 : memref<!tpu.dma_semaphore, #tpu.memory_space<semaphore_mem>>)
    %dma_wait3A_103 = arith.constant 2048 : i32
    %dma_wait3A_104 = tpu.memref_slice %arg10[%dma_wait3A_103] : memref<4096xi32, #tpu.memory_space<vmem>> -> memref<512xi32, #tpu.memory_space<vmem>>
    %dma_wait3A_105 = arith.constant 0 : i32
    %dma_wait3A_106 = arith.constant 0 : i32
    %dma_wait3A_107 = tpu.memref_slice %arg5[%dma_wait3A_105, %dma_wait3A_106] : memref<800024x64xf32, #tpu.memory_space<hbm>> -> memref<800024x64xf32, #tpu.memory_space<hbm>>
    tpu.wait_indirect_dma semaphore(%arg13 : memref<!tpu.dma_semaphore, #tpu.memory_space<semaphore_mem>>) src(%dma_wait3A_107 : memref<800024x64xf32, #tpu.memory_space<hbm>>) dst(%arg11 : memref<512x64xf32, #tpu.memory_space<vmem>>)
    %dma_wait3A_108 = arith.constant 0 : i32
    %dma_wait3A_109 = tpu.memref_slice %arg6[%add3A_98, %dma_wait3A_108] : memref<131072x64xf32, #tpu.memory_space<hbm>> -> memref<512x64xf32, #tpu.memory_space<hbm>>
    %dma_wait3A_110 = arith.constant 0 : i32
    %dma_wait3A_111 = tpu.memref_slice %arg6[%add3A_98, %dma_wait3A_110] : memref<131072x64xf32, #tpu.memory_space<hbm>> -> memref<512x64xf32, #tpu.memory_space<hbm>>
    tpu.wait_dma2 semaphore(%arg14 : memref<!tpu.dma_semaphore, #tpu.memory_space<semaphore_mem>>) src(%arg12 : memref<512x64xf32, #tpu.memory_space<vmem>>) dst(%dma_wait3A_111 : memref<512x64xf32, #tpu.memory_space<hbm>>)
    %dma_start3A_112 = arith.constant 2560 : i32
    %dma_start3A_113 = tpu.memref_slice %arg10[%dma_start3A_112] : memref<4096xi32, #tpu.memory_space<vmem>> -> memref<512xi32, #tpu.memory_space<vmem>>
    %dma_start3A_114 = arith.constant 0 : i32
    %dma_start3A_115 = arith.constant 0 : i32
    %dma_start3A_116 = tpu.memref_slice %arg5[%dma_start3A_114, %dma_start3A_115] : memref<800024x64xf32, #tpu.memory_space<hbm>> -> memref<800024x64xf32, #tpu.memory_space<hbm>>
    tpu.enqueue_indirect_dma source(%dma_start3A_116 : memref<800024x64xf32, #tpu.memory_space<hbm>>) target(%arg12 : memref<512x64xf32, #tpu.memory_space<vmem>>) offsets(%dma_start3A_113 : memref<512xi32, #tpu.memory_space<vmem>>) semaphore(%arg13 : memref<!tpu.dma_semaphore, #tpu.memory_space<semaphore_mem>>)
    %add3A_117 = arith.constant 2048 : i32
    %add3A_118 = arith.addi %mul3A_23, %add3A_117 : i32
    %dma_start3A_119 = arith.constant 0 : i32
    %dma_start3A_120 = tpu.memref_slice %arg6[%add3A_118, %dma_start3A_119] : memref<131072x64xf32, #tpu.memory_space<hbm>> -> memref<512x64xf32, #tpu.memory_space<hbm>>
    %dma_start3A_121 = arith.constant 0 : i32
    %dma_start3A_122 = tpu.memref_slice %arg6[%add3A_118, %dma_start3A_121] : memref<131072x64xf32, #tpu.memory_space<hbm>> -> memref<512x64xf32, #tpu.memory_space<hbm>>
    tpu.enqueue_dma source(%arg11 : memref<512x64xf32, #tpu.memory_space<vmem>>) target(%dma_start3A_122 : memref<512x64xf32, #tpu.memory_space<hbm>>) target_semaphore(%arg14 : memref<!tpu.dma_semaphore, #tpu.memory_space<semaphore_mem>>)
    %dma_wait3A_123 = arith.constant 2560 : i32
    %dma_wait3A_124 = tpu.memref_slice %arg10[%dma_wait3A_123] : memref<4096xi32, #tpu.memory_space<vmem>> -> memref<512xi32, #tpu.memory_space<vmem>>
    %dma_wait3A_125 = arith.constant 0 : i32
    %dma_wait3A_126 = arith.constant 0 : i32
    %dma_wait3A_127 = tpu.memref_slice %arg5[%dma_wait3A_125, %dma_wait3A_126] : memref<800024x64xf32, #tpu.memory_space<hbm>> -> memref<800024x64xf32, #tpu.memory_space<hbm>>
    tpu.wait_indirect_dma semaphore(%arg13 : memref<!tpu.dma_semaphore, #tpu.memory_space<semaphore_mem>>) src(%dma_wait3A_127 : memref<800024x64xf32, #tpu.memory_space<hbm>>) dst(%arg12 : memref<512x64xf32, #tpu.memory_space<vmem>>)
    %dma_wait3A_128 = arith.constant 0 : i32
    %dma_wait3A_129 = tpu.memref_slice %arg6[%add3A_118, %dma_wait3A_128] : memref<131072x64xf32, #tpu.memory_space<hbm>> -> memref<512x64xf32, #tpu.memory_space<hbm>>
    %dma_wait3A_130 = arith.constant 0 : i32
    %dma_wait3A_131 = tpu.memref_slice %arg6[%add3A_118, %dma_wait3A_130] : memref<131072x64xf32, #tpu.memory_space<hbm>> -> memref<512x64xf32, #tpu.memory_space<hbm>>
    tpu.wait_dma2 semaphore(%arg14 : memref<!tpu.dma_semaphore, #tpu.memory_space<semaphore_mem>>) src(%arg11 : memref<512x64xf32, #tpu.memory_space<vmem>>) dst(%dma_wait3A_131 : memref<512x64xf32, #tpu.memory_space<hbm>>)
    %dma_start3A_132 = arith.constant 3072 : i32
    %dma_start3A_133 = tpu.memref_slice %arg10[%dma_start3A_132] : memref<4096xi32, #tpu.memory_space<vmem>> -> memref<512xi32, #tpu.memory_space<vmem>>
    %dma_start3A_134 = arith.constant 0 : i32
    %dma_start3A_135 = arith.constant 0 : i32
    %dma_start3A_136 = tpu.memref_slice %arg5[%dma_start3A_134, %dma_start3A_135] : memref<800024x64xf32, #tpu.memory_space<hbm>> -> memref<800024x64xf32, #tpu.memory_space<hbm>>
    tpu.enqueue_indirect_dma source(%dma_start3A_136 : memref<800024x64xf32, #tpu.memory_space<hbm>>) target(%arg11 : memref<512x64xf32, #tpu.memory_space<vmem>>) offsets(%dma_start3A_133 : memref<512xi32, #tpu.memory_space<vmem>>) semaphore(%arg13 : memref<!tpu.dma_semaphore, #tpu.memory_space<semaphore_mem>>)
    %add3A_137 = arith.constant 2560 : i32
    %add3A_138 = arith.addi %mul3A_23, %add3A_137 : i32
    %dma_start3A_139 = arith.constant 0 : i32
    %dma_start3A_140 = tpu.memref_slice %arg6[%add3A_138, %dma_start3A_139] : memref<131072x64xf32, #tpu.memory_space<hbm>> -> memref<512x64xf32, #tpu.memory_space<hbm>>
    %dma_start3A_141 = arith.constant 0 : i32
    %dma_start3A_142 = tpu.memref_slice %arg6[%add3A_138, %dma_start3A_141] : memref<131072x64xf32, #tpu.memory_space<hbm>> -> memref<512x64xf32, #tpu.memory_space<hbm>>
    tpu.enqueue_dma source(%arg12 : memref<512x64xf32, #tpu.memory_space<vmem>>) target(%dma_start3A_142 : memref<512x64xf32, #tpu.memory_space<hbm>>) target_semaphore(%arg14 : memref<!tpu.dma_semaphore, #tpu.memory_space<semaphore_mem>>)
    %dma_wait3A_143 = arith.constant 3072 : i32
    %dma_wait3A_144 = tpu.memref_slice %arg10[%dma_wait3A_143] : memref<4096xi32, #tpu.memory_space<vmem>> -> memref<512xi32, #tpu.memory_space<vmem>>
    %dma_wait3A_145 = arith.constant 0 : i32
    %dma_wait3A_146 = arith.constant 0 : i32
    %dma_wait3A_147 = tpu.memref_slice %arg5[%dma_wait3A_145, %dma_wait3A_146] : memref<800024x64xf32, #tpu.memory_space<hbm>> -> memref<800024x64xf32, #tpu.memory_space<hbm>>
    tpu.wait_indirect_dma semaphore(%arg13 : memref<!tpu.dma_semaphore, #tpu.memory_space<semaphore_mem>>) src(%dma_wait3A_147 : memref<800024x64xf32, #tpu.memory_space<hbm>>) dst(%arg11 : memref<512x64xf32, #tpu.memory_space<vmem>>)
    %dma_wait3A_148 = arith.constant 0 : i32
    %dma_wait3A_149 = tpu.memref_slice %arg6[%add3A_138, %dma_wait3A_148] : memref<131072x64xf32, #tpu.memory_space<hbm>> -> memref<512x64xf32, #tpu.memory_space<hbm>>
    %dma_wait3A_150 = arith.constant 0 : i32
    %dma_wait3A_151 = tpu.memref_slice %arg6[%add3A_138, %dma_wait3A_150] : memref<131072x64xf32, #tpu.memory_space<hbm>> -> memref<512x64xf32, #tpu.memory_space<hbm>>
    tpu.wait_dma2 semaphore(%arg14 : memref<!tpu.dma_semaphore, #tpu.memory_space<semaphore_mem>>) src(%arg12 : memref<512x64xf32, #tpu.memory_space<vmem>>) dst(%dma_wait3A_151 : memref<512x64xf32, #tpu.memory_space<hbm>>)
    %dma_start3A_152 = arith.constant 3584 : i32
    %dma_start3A_153 = tpu.memref_slice %arg10[%dma_start3A_152] : memref<4096xi32, #tpu.memory_space<vmem>> -> memref<512xi32, #tpu.memory_space<vmem>>
    %dma_start3A_154 = arith.constant 0 : i32
    %dma_start3A_155 = arith.constant 0 : i32
    %dma_start3A_156 = tpu.memref_slice %arg5[%dma_start3A_154, %dma_start3A_155] : memref<800024x64xf32, #tpu.memory_space<hbm>> -> memref<800024x64xf32, #tpu.memory_space<hbm>>
    tpu.enqueue_indirect_dma source(%dma_start3A_156 : memref<800024x64xf32, #tpu.memory_space<hbm>>) target(%arg12 : memref<512x64xf32, #tpu.memory_space<vmem>>) offsets(%dma_start3A_153 : memref<512xi32, #tpu.memory_space<vmem>>) semaphore(%arg13 : memref<!tpu.dma_semaphore, #tpu.memory_space<semaphore_mem>>)
    %add3A_157 = arith.constant 3072 : i32
    %add3A_158 = arith.addi %mul3A_23, %add3A_157 : i32
    %dma_start3A_159 = arith.constant 0 : i32
    %dma_start3A_160 = tpu.memref_slice %arg6[%add3A_158, %dma_start3A_159] : memref<131072x64xf32, #tpu.memory_space<hbm>> -> memref<512x64xf32, #tpu.memory_space<hbm>>
    %dma_start3A_161 = arith.constant 0 : i32
    %dma_start3A_162 = tpu.memref_slice %arg6[%add3A_158, %dma_start3A_161] : memref<131072x64xf32, #tpu.memory_space<hbm>> -> memref<512x64xf32, #tpu.memory_space<hbm>>
    tpu.enqueue_dma source(%arg11 : memref<512x64xf32, #tpu.memory_space<vmem>>) target(%dma_start3A_162 : memref<512x64xf32, #tpu.memory_space<hbm>>) target_semaphore(%arg14 : memref<!tpu.dma_semaphore, #tpu.memory_space<semaphore_mem>>)
    %dma_wait3A_163 = arith.constant 3584 : i32
    %dma_wait3A_164 = tpu.memref_slice %arg10[%dma_wait3A_163] : memref<4096xi32, #tpu.memory_space<vmem>> -> memref<512xi32, #tpu.memory_space<vmem>>
    %dma_wait3A_165 = arith.constant 0 : i32
    %dma_wait3A_166 = arith.constant 0 : i32
    %dma_wait3A_167 = tpu.memref_slice %arg5[%dma_wait3A_165, %dma_wait3A_166] : memref<800024x64xf32, #tpu.memory_space<hbm>> -> memref<800024x64xf32, #tpu.memory_space<hbm>>
    tpu.wait_indirect_dma semaphore(%arg13 : memref<!tpu.dma_semaphore, #tpu.memory_space<semaphore_mem>>) src(%dma_wait3A_167 : memref<800024x64xf32, #tpu.memory_space<hbm>>) dst(%arg12 : memref<512x64xf32, #tpu.memory_space<vmem>>)
    %dma_wait3A_168 = arith.constant 0 : i32
    %dma_wait3A_169 = tpu.memref_slice %arg6[%add3A_158, %dma_wait3A_168] : memref<131072x64xf32, #tpu.memory_space<hbm>> -> memref<512x64xf32, #tpu.memory_space<hbm>>
    %dma_wait3A_170 = arith.constant 0 : i32
    %dma_wait3A_171 = tpu.memref_slice %arg6[%add3A_158, %dma_wait3A_170] : memref<131072x64xf32, #tpu.memory_space<hbm>> -> memref<512x64xf32, #tpu.memory_space<hbm>>
    tpu.wait_dma2 semaphore(%arg14 : memref<!tpu.dma_semaphore, #tpu.memory_space<semaphore_mem>>) src(%arg11 : memref<512x64xf32, #tpu.memory_space<vmem>>) dst(%dma_wait3A_171 : memref<512x64xf32, #tpu.memory_space<hbm>>)
    %add3A_172 = arith.constant 3584 : i32
    %add3A_173 = arith.addi %mul3A_23, %add3A_172 : i32
    %dma_start3A_174 = arith.constant 0 : i32
    %dma_start3A_175 = tpu.memref_slice %arg6[%add3A_173, %dma_start3A_174] : memref<131072x64xf32, #tpu.memory_space<hbm>> -> memref<512x64xf32, #tpu.memory_space<hbm>>
    %dma_start3A_176 = arith.constant 0 : i32
    %dma_start3A_177 = tpu.memref_slice %arg6[%add3A_173, %dma_start3A_176] : memref<131072x64xf32, #tpu.memory_space<hbm>> -> memref<512x64xf32, #tpu.memory_space<hbm>>
    tpu.enqueue_dma source(%arg12 : memref<512x64xf32, #tpu.memory_space<vmem>>) target(%dma_start3A_177 : memref<512x64xf32, #tpu.memory_space<hbm>>) target_semaphore(%arg14 : memref<!tpu.dma_semaphore, #tpu.memory_space<semaphore_mem>>)
    %dma_wait3A_178 = arith.constant 0 : i32
    %dma_wait3A_179 = tpu.memref_slice %arg6[%add3A_173, %dma_wait3A_178] : memref<131072x64xf32, #tpu.memory_space<hbm>> -> memref<512x64xf32, #tpu.memory_space<hbm>>
    %dma_wait3A_180 = arith.constant 0 : i32
    %dma_wait3A_181 = tpu.memref_slice %arg6[%add3A_173, %dma_wait3A_180] : memref<131072x64xf32, #tpu.memory_space<hbm>> -> memref<512x64xf32, #tpu.memory_space<hbm>>
    tpu.wait_dma2 semaphore(%arg14 : memref<!tpu.dma_semaphore, #tpu.memory_space<semaphore_mem>>) src(%arg12 : memref<512x64xf32, #tpu.memory_space<vmem>>) dst(%dma_wait3A_181 : memref<512x64xf32, #tpu.memory_space<hbm>>)
    return
  }
}

</mosaic_0001>

<sc_bundles>
// kernel: _launch.3.cloned.1.call-start
scs
__scs_entry_jumppad:
0x0: {  	(pc) =	sbr.rel $0x88, $3  }
0x1: {  	(tag) =	ssettag $0x0;
	lr =	simm.s32 $0x1  }
0x2: {  	[smem:$0x3F9D] =	sst lr;
	_ =	strace $0xD0000000  }
0x3: {  	_ = 	snop  }
0x4: {  	_ = 	snop  }
0x5: {  	_ = 	snop  }
0x6: {  	_ = 	snop  }
0x7: {  	_ = 	snop  }
__scs_overlays_trampoline_lowered:
0x8: {  	[smem:$0x3FAC] =	sst s0  }
0x9: {  	[smem:$0x3FAD] =	sst s1  }
0xa: {  	[smem:$0x3FAE] =	sst s2  }
0xb: {  	[smem:$0x3FAF] =	sst s3  }
0xc: {  	[smem:$0x3FB0] =	sst s4  }
0xd: {  	[smem:$0x3FB1] =	sst s5  }
0xe: {  	[smem:$0x3FB2] =	sst s6  }
0xf: {  	[smem:$0x3FB3] =	sst s7  }
0x10: {  	[smem:$0x3FB4] =	sst s8  }
0x11: {  	[smem:$0x3FB5] =	sst s9;
	s0 =	simm.s32 @!p0 $0x0  }
0x12: {  	s1 =	sld [smem:$0x3F9B];
	s0 =	simm.s32 @p0 $0x1  }
0x13: {  	[smem:$0x3FB6] =	sst s0;
	s0 =	simm.s32 @!p1 $0x0  }
0x14: {  	s2 =	sld [smem:$0x3F9A];
	s0 =	simm.s32 @p1 $0x1  }
0x15: {  	[smem:$0x3FB7] =	sst s0;
	s0 =	simm.s32 @!p2 $0x0  }
0x16: {  	s3 =	sld [smem:$0x3FDB];
	s0 =	simm.s32 @p2 $0x1  }
0x17: {  	s4 =	simm.s32 $0x1BF5;
	[smem:$0x3FB9] =	sst s0  }
0x18: {  	s0 =	sld [smem:$0x3F9C];
	_ =	swait.ge [sflag:s4], $0x0  }
0x19: {  	s7 =	sld [smem:$0x3F9D]  }
0x1a: {  	s8 =	sadd.s32 $0xFFFFE003, lr  }
0x1b: {  	s9 =	sadd.s32 $0xFFFFFEF7, lr;
	s5 =	simm.s32 $0xFFFFFFFF;
	p2 =	slt.u32 s8, $0xFFFFF086  }
0x1c: {  	p1 =	slt.u32 s9, $0xF7A;
	s5 =	simm.s32 @!p2 $0x0  }
0x1d: {  	s5 =	simm.s32 @p1 $0x1;
	p0 =	seq.s32 s7, s2  }
0x1e: {  	s7 =	smul.u32 @!p0 $0xF7A, s2;
	p2 =	seq.s32 @!p0 s5, $0x0  }
0x1f: {  	s9 =	smul.u32 $0xF7A, s1;
	s8 =	simm.s32 @!p0 $0x1BF5;
	p2 =	por !p2, p0  }
0x20: {  	[sflag:s8] =	ssyncset.s32 @!p0 $0xFFFFF086;
	s6 =	sadd.s32 @!p0 s3, s7;
	s7 =	simm.s32 @!p0 $0x108  }
0x21: {  	s3 =	sadd.s32 s3, s9;
	s6 =	sadd.s32 @!p0 $0x88, s6;
	s7 =	simm.s32 @p2 $0x1082  }
0x22: {  	[simem:s7], [sflag:s8] =	dma.local @!p0 [hbm:s6], $0xF7A  }
0x23: {  	s9 =	sor.u32 $0xD0000000, s2;
	s6 =	simm.s32 $0x108;
	_ =	swait.ge @!p0 [sflag:s8], $0x0  }
0x24: {  	s3 =	sadd.s32 $0x88, s3;
	s6 =	simm.s32 @!p1 $0x1082;
	[sflag:s4] =	ssyncset.s32 $0xFFFFF086  }
0x25: {  	[simem:s6], [sflag:s4] =	dma.local [hbm:s3], $0xF7A  }
0x26: {  	[smem:$0x3F9D] =	sst s1;
	(tag) =	ssettag s2;
	_ =	strace s9  }
0x27: {  	s1 =	sld [smem:$0x3FAD]  }
0x28: {  	s2 =	sld [smem:$0x3FAE]  }
0x29: {  	s4 =	sld [smem:$0x3FB0]  }
0x2a: {  	p0 =	seq.s32 s5, $0x0;
	s5 =	sld [smem:$0x3FB1]  }
0x2b: {  	s6 =	sld [smem:$0x3FB2]  }
0x2c: {  	s7 =	sld [smem:$0x3FB3]  }
0x2d: {  	s3 =	simm.s32 $0x108;
	s8 =	sld [smem:$0x3FB4]  }
0x2e: {  	s3 =	simm.s32 @!p0 $0x1082;
	s9 =	sld [smem:$0x3FB5]  }
0x2f: {  	lr =	sadd.s32 s0, s3;
	s0 =	sld [smem:$0x3FAC]  }
0x30: {  	s3 =	sld [smem:$0x3FAF]  }
0x31: {  	[smem:$0x3FB8] =	sst s10  }
0x32: {  	s10 =	sld [smem:$0x3FB6];
	_ =	sdelay $0x3  }
0x33: {  	p0 =	seq.s32 s10, $0x1;
	s10 =	sld [smem:$0x3FB8];
	_ =	sdelay $0x3  }
0x34: {  	[smem:$0x3FB8] =	sst s10  }
0x35: {  	s10 =	sld [smem:$0x3FB7];
	_ =	sdelay $0x3  }
0x36: {  	p1 =	seq.s32 s10, $0x1;
	s10 =	sld [smem:$0x3FB8];
	_ =	sdelay $0x3  }
0x37: {  	[smem:$0x3FB8] =	sst s10  }
0x38: {  	s10 =	sld [smem:$0x3FB9]  }
0x39: {  	_ = 	snop;
	(pc) =	sbr.ind lr, $3  }
0x3a: {  	_ = 	snop  }
0x3b: {  	_ = 	snop  }
0x3c: {  	p2 =	seq.s32 s10, $0x1;
	s10 =	sld [smem:$0x3FB8]  }
0x3d: {  	_ =	shalt  }
0x3e: {  	_ =	shalt  }
0x3f: {  	_ =	shalt  }
0x40: {  	_ =	shalt  }
0x41: {  	_ =	shalt  }
0x42: {  	_ =	shalt  }
0x43: {  	_ =	shalt  }
0x44: {  	_ =	shalt  }
0x45: {  	_ =	shalt  }
0x46: {  	_ =	shalt  }
0x47: {  	_ =	shalt  }
0x48: {  	_ =	shalt  }
0x49: {  	_ =	shalt  }
0x4a: {  	_ =	shalt  }
0x4b: {  	_ =	shalt  }
0x4c: {  	_ =	shalt  }
0x4d: {  	_ =	shalt  }
0x4e: {  	_ =	shalt  }
0x4f: {  	_ =	shalt  }
0x50: {  	_ =	shalt  }
0x51: {  	_ =	shalt  }
0x52: {  	_ =	shalt  }
0x53: {  	_ =	shalt  }
0x54: {  	_ =	shalt  }
0x55: {  	_ =	shalt  }
0x56: {  	_ =	shalt  }
0x57: {  	_ =	shalt  }
0x58: {  	_ =	shalt  }
0x59: {  	_ =	shalt  }
0x5a: {  	_ =	shalt  }
0x5b: {  	_ =	shalt  }
0x5c: {  	_ =	shalt  }
0x5d: {  	_ =	shalt  }
0x5e: {  	_ =	shalt  }
0x5f: {  	_ =	shalt  }
0x60: {  	_ =	shalt  }
0x61: {  	_ =	shalt  }
0x62: {  	_ =	shalt  }
0x63: {  	_ =	shalt  }
0x64: {  	_ =	shalt  }
0x65: {  	_ =	shalt  }
0x66: {  	_ =	shalt  }
0x67: {  	_ =	shalt  }
0x68: {  	_ =	shalt  }
0x69: {  	_ =	shalt  }
0x6a: {  	_ =	shalt  }
0x6b: {  	_ =	shalt  }
0x6c: {  	_ =	shalt  }
0x6d: {  	_ =	shalt  }
0x6e: {  	_ =	shalt  }
0x6f: {  	_ =	shalt  }
0x70: {  	_ =	shalt  }
0x71: {  	_ =	shalt  }
0x72: {  	_ =	shalt  }
0x73: {  	_ =	shalt  }
0x74: {  	_ =	shalt  }
0x75: {  	_ =	shalt  }
0x76: {  	_ =	shalt  }
0x77: {  	_ =	shalt  }
0x78: {  	_ =	shalt  }
0x79: {  	_ =	shalt  }
0x7a: {  	_ =	shalt  }
0x7b: {  	_ =	shalt  }
0x7c: {  	_ =	shalt  }
0x7d: {  	_ =	shalt  }
0x7e: {  	_ =	shalt  }
0x7f: {  	_ =	shalt  }
0x80: {  	_ =	shalt  }
0x81: {  	_ =	shalt  }
0x82: {  	_ =	shalt  }
0x83: {  	_ =	shalt  }
0x84: {  	_ =	shalt  }
0x85: {  	_ =	shalt  }
0x86: {  	_ =	shalt  }
0x87: {  	_ =	shalt  }
.Lfunc_end0:
.L_simem_size_0:
called_computation.1_lowered:
.L_overlay_start_0:
0x88: {  	s2 =	sld [smem:$0x3FD9]  }
0x89: {  	s3 =	sld [smem:$0x3FFE];
	_ =	sdelay $0x1  }
0x8a: {  	s1 =	srdreg.scid  }
0x8b: {  	s0 =	sand.u32 $0x1, s1  }
0x8c: {  	s17 =	sshll.u32 s0, $0xA;
	s2 =	sadd.s32 s3, s2  }
0x8d: {  	s2 =	sadd.s32 s2, s17  }
0x8e: {  	[smem:$0x3FC4] =	sst s2  }
0x8f: {  	_ = 	snop  }
0x90: {  	s2 =	sld [smem:$0x3FC9]  }
0x91: {  	s18 =	sld [smem:$0x3FC8]  }
0x92: {  	s4 =	sld [smem:$0x3FC7]  }
0x93: {  	s5 =	sld [smem:$0x3FD0];
	(tm) =	ssettm $0x1  }
0x94: {  	s6 =	sld [smem:$0x3FFB];
	_ =	sdelay $0x3  }
0x95: {  	_ =	strace s6  }
0x96: {  	s6 =	sld [smem:$0x3FFC];
	_ =	sdelay $0x3  }
0x97: {  	_ =	strace s6  }
0x98: {  	s6 =	sld [smem:$0x3FFD];
	_ =	sdelay $0x3  }
0x99: {  	_ =	strace s6  }
0x9a: {  	_ =	strace $0x8FFFFFFF  }
0x9b: {  	s19 =	sld [smem:$0x3FDB];
	_ =	sdelay $0x1  }
0x9c: {  	s7 =	simm.s32 $_scs_section_size  }
0x9d: {  	s8 =	simm.s32 $_size__tile_overlayer_lowered;
	s9 =	simm.s32 $_tile_overlayer_lowered  }
0x9e: {  	s22 =	simm.s32 $0x1BFF;
	s21 =	sshll.u32 s9, $0x1;
	s6 =	sadd.s32 s7, s19  }
0x9f: {  	s10 =	simm.s32 $0x0;
	s20 =	sshll.u32 s8, $0x1;
	s8 =	sadd.s32 s21, s6  }
0xa0: {  	[timem:s10], [sflag:s22] =	dma.local [hbm:s8], s20  }
0xa1: {  	_ =	swait.ge [sflag:s22], s20  }
0xa2: {  	s7 =	ssub.s32 $0x0, s20;
	[sflag:s22] =	ssyncset.done $0x0  }
0xa3: {  	[sflag:s22] =	ssyncadd.s32 s7;
	_ =	sdelay $0x1  }
0xa4: {  	s23 =	simm.s32 $0x1B8B  }
0xa5: {  	_ =	swait.ge [sflag:s23], $0x1  }
0xa6: {  	[sflag:s23] =	ssyncset.done $0x0  }
0xa7: {  	s25 =	simm.s32 $0x1B8E;
	s24 =	sld [smem:$0x3FFE];
	[sflag:s23] =	ssyncadd.s32 $0xFFFFFFFF  }
0xa8: {  	s26 =	simm.s32 $execute0_lowered;
	[smem:$0x3FD2] =	sst s25  }
0xa9: {  	s8 =	sshll.u32 s26, $0x1;
	_ =	strace $0x80000046;
	[dreg:$0x1] =	wrdreg $0xFFFFFFFF  }
0xaa: {  	s28 =	simm.s32 $_size_execute0_lowered;
	s6 =	sadd.s32 s6, s8;
	[dreg:$0x0] =	wrdreg $0x0  }
0xab: {  	s8 =	sshll.u32 s28, $0x1;
	[dreg:$0x2] =	wrdreg s6  }
0xac: {  	[dreg:$0x3] =	wrdreg s8  }
0xad: {  	[dreg:$0x4] =	wrdreg $0xC0  }
0xae: {  	_ =	task [dreg:s10], $0x5FFFF  }
0xaf: {  	[dreg:$0x1] =	wrdreg $0xFFFFFFFF  }
0xb0: {  	[dreg:$0x0] =	wrdreg $0x60  }
0xb1: {  	[dreg:$0x2] =	wrdreg s2  }
0xb2: {  	[dreg:$0x3] =	wrdreg s18  }
0xb3: {  	[dreg:$0x4] =	wrdreg s4  }
0xb4: {  	[dreg:$0x5] =	wrdreg s24  }
0xb5: {  	[dreg:$0x6] =	wrdreg s5  }
0xb6: {  	[dreg:$0x7] =	wrdreg $0x9  }
0xb7: {  	_ =	task.clear_ibuf [dreg:s10], $0x8FFFF;
	_ =	strace $0x90000046  }
0xb8: {  	s29 =	simm.s32 $0x9;
	_ =	strace $0x80000048  }
0xb9: {  	_ =	swait.ge [sflag:s29], $0x1  }
0xba: {  	[sflag:s29] =	ssyncadd.s32 $0xFFFFFFFF  }
0xbb: {  	_ =	strace $0x90000048  }
0xbc: {  	_ =	sfence  }
0xbd: {  	s30 =	sld [smem:$0x0];
	_ =	sdelay $0x2  }
0xbe: {  	s31 =	sshll.u32 s1, $0xD;
	s1 =	sshrl.u32 s1, $0x2  }
0xbf: {  	s3 =	sand.u32 $0x4000, s31;
	s1 =	sadd.s32 s1, s30  }
0xc0: {  	s0 =	sor.u32 s3, s0;
	s1 =	sshll.u32 s1, $0x11  }
0xc1: {  	s0 =	sor.u32 s1, s0  }
0xc2: {  	s0 =	sadd.s32 $0x8F2B, s0  }
0xc3: {  	[sflag:s0] =	ssyncadd.remote.s32 $0x1  }
0xc4: {  	_ =	sfence.sel $0xFFFF  }
0xc5: {  	[dreg:$0x0] =	wrdreg $0xFFFFFFFF;
	(pc) =	sbr.abs _section_cstart, $3  }
0xc6: {  	[dreg:$0x1] =	wrdreg $0xFFFFFFFF  }
0xc7: {  	_ =	task.clear_ibuf [dreg:s10], $0x2FFFF;
	_ =	strace $0x9FFFFFFF  }
0xc8: {  	(tm) =	ssettm $0x7FFFFFFF  }
0xc9: {  	_ =	shalt  }
tec
execute0_lowered:
.L_overlay_start_1:
0x0: {  	(tag) =	ssettag $0x1  }
0x1: {  	s0 =	rddreg [dreg:$0x0]  }
0x2: {  	s1 =	rddreg [dreg:$0x1]  }
0x3: {  	s2 =	rddreg [dreg:$0x3]  }
0x4: {  	s7 =	rddreg [dreg:$0x4]  }
0x5: {  	s3 =	simm.s32 $0x0;
	s4 =	srdreg.scid;
	s8 =	stileid.u32  }
0x6: {  	s16 =	simm.s32 $0x3;
	s17 =	simm.s32 $0x200;
	s20 =	simm.s32 $0x1440  }
0x7: {  	s21 =	simm.s32 $0x1;
	s22 =	simm.s32 $0x640;
	s23 =	simm.s32 $0x9440  }
0x8: {  	s24 =	simm.s32 $0x2;
	s28 =	simm.s32 $0xC40;
	s29 =	simm.s32 $0xE40  }
0x9: {  	s30 =	simm.s32 $0x1040;
	s31 =	simm.s32 $0x1240;
	[smem:$0x7FF] =	sst s3  }
0xa: {  	s5 =	sand.u32 $0x1, s4;
	s8 =	sshll.u32 s8, $0x1;
	s4 =	sadd.s32 $0xC35A00, s2  }
0xb: {  	_ =	strace $0x80000047;
	s6 =	ssub.s32 $0x2, s5;
	s5 =	sor.u32 s5, s8  }
0xc: {  	s25 =	sshrl.u32 s6, $0x1;
	s26 =	sshll.u32 s5, $0x6;
	s8 =	sshll.u32 s5, $0xF  }
0xd: {  	s2 =	ssub.s32 s6, s25;
	s5 =	sadd.s32 s0, s26;
	s6 =	sadd.s32 s1, s26  }
0xe: {  	s7 =	sadd.s32 s7, s8;
	s25 =	simm.s32 $0x840;
	s26 =	simm.s32 $0xA40  }
0xf: {  	s0 =	simm.s32 $0x0;
	s8 =	sadd.s32 $0x1000, s7;
	s9 =	sadd.s32 $0x2000, s7  }
0x10: {  	v0 =	vlaneseq.u32;
	s10 =	sadd.s32 $0x3000, s7;
	s11 =	sadd.s32 $0x4000, s7;
	s12 =	sadd.s32 $0x5000, s7  }
0x11: {  	v0 =	vshrl.u32 v0, $0x3;
	s13 =	sadd.s32 $0x6000, s7;
	s14 =	sadd.s32 $0x7000, s7;
	s15 =	smax.u32 s2, $0x1  }
.LBB2_1:
0x12: {  	[tilespmem:s3], [sflag:$0x3] =	stream.linear.gather [hbm4b:s5+s3], $0x200, $0x38;
	[tilespmem:$0x11440] =	vst v63  }
0x13: {  	_ =	swait.ge [sflag:s16], $0x200  }
0x14: {  	[sflag:s16] =	ssyncset.done $0x0  }
0x15: {  	[sflag:s16] =	ssyncadd.s32 $0xFFFFFE00  }
0x16: {  	[tilespmem:s17], [sflag:$0x3] =	stream.linear.gather [hbm4b:s6+s3], $0x200, $0x38;
	[tilespmem:$0x11440] =	vst v63  }
0x17: {  	_ =	swait.ge [sflag:s16], $0x200  }
0x18: {  	[sflag:s16] =	ssyncset.done $0x0  }
0x19: {  	[sflag:s16] =	ssyncadd.s32 $0xFFFFFE00  }
0x1a: {  	s2 =	simm.s32 $0x400;
	s1 =	rddreg [dreg:$0x2]  }
0x1b: {  	[tilespmem:s2], [sflag:$0x3] =	stream.linear.gather [hbm4b:s1+s3], $0x40, $0x38;
	[tilespmem:$0x11440] =	vst v63  }
0x1c: {  	v1 =	vor.u32 s3, v0;
	_ =	swait.ge [sflag:s16], $0x40  }
0x1d: {  	[sflag:s16] =	ssyncset.done $0x0  }
0x1e: {  	[sflag:s16] =	ssyncadd.s32 $0xFFFFFFC0  }
0x1f: {  	v3 =	vld [tilespmem:$0x400]  }
0x20: {  	v4 =	vld [tilespmem:$0x420]  }
0x21: {  	v5 =	vld.idx.msk [tilespmem:v1+s3+$0x0], $0xffff  }
0x22: {  	v6 =	vld.idx.msk [tilespmem:v1+s17+$0x0], $0xffff;
	_ =	sdelay $0x3  }
0x23: {  	v1 =	vmul.u32 v3, v5  }
0x24: {  	v2 =	vmul.u32 v4, v6  }
0x25: {  	v7 =	vcvt.s32.f32 v1  }
0x26: {  	v8 =	vcvt.s32.f32 v2  }
0x27: {  	v7 =	vmul.f32 $1.249962450e-06, v7  }
0x28: {  	v8 =	vmul.f32 $1.249962450e-06, v8  }
0x29: {  	v7 =	vtrunc.f32 v7  }
0x2a: {  	v8 =	vtrunc.f32 v8;
	v7 =	vcvt.f32.s32 v7  }
0x2b: {  	v8 =	vcvt.f32.s32 v8  }
0x2c: {  	v7 =	vmul.u32 $0xFFF3CAE8, v7  }
0x2d: {  	v8 =	vmul.u32 $0xFFF3CAE8, v8  }
0x2e: {  	v1 =	vadd.s32 v1, v7  }
0x2f: {  	v2 =	vadd.s32 v2, v8;
	vm0 =	vlt.s32 v1, $0x0;
	v7 =	vadd.s32 $0xC3518, v1  }
0x30: {  	v1 =	vsel vm0, v7, v1;
	vm0 =	vlt.s32 v2, $0x0;
	v7 =	vadd.s32 $0xC3518, v2  }
0x31: {  	v8 =	vshll.u32 v1, $0xA;
	v2 =	vsel vm0, v7, v2  }
0x32: {  	vm0 =	vgt.s32 v1, $0xC3517;
	v1 =	vadd.s32 $0xCF2BA000, v8;
	v7 =	vshll.u32 v2, $0xA  }
0x33: {  	vm1 =	vgt.s32 v2, $0xC3517;
	v8 =	vsel vm0, v1, v8;
	v1 =	vadd.s32 $0xCF2BA000, v7  }
0x34: {  	v2 =	vcvt.s32.f32 v8;
	v7 =	vsel vm1, v1, v7  }
0x35: {  	v9 =	vcvt.s32.f32 v7  }
0x36: {  	v10 =	vmul.f32 $1.249962450e-06, v2  }
0x37: {  	v1 =	vld [tilespmem:$0x410];
	v9 =	vmul.f32 $1.249962450e-06, v9  }
0x38: {  	v2 =	vld [tilespmem:$0x430];
	v10 =	vtrunc.f32 v10  }
0x39: {  	v10 =	vcvt.f32.s32 v10;
	v9 =	vtrunc.f32 v9  }
0x3a: {  	v9 =	vcvt.f32.s32 v9  }
0x3b: {  	v10 =	vmul.u32 $0xFFF3CAE8, v10  }
0x3c: {  	v9 =	vmul.u32 $0xFFF3CAE8, v9  }
0x3d: {  	v5 =	vmul.u32 v1, v5;
	v6 =	vmul.u32 v2, v6;
	v8 =	vadd.s32 v8, v10  }
0x3e: {  	vm0 =	vlt.s32 v8, $0x0;
	v10 =	vadd.s32 $0xC3518, v8;
	v7 =	vadd.s32 v7, v9  }
0x3f: {  	v8 =	vsel vm0, v10, v8;
	vm0 =	vlt.s32 v7, $0x0;
	v9 =	vadd.s32 $0xC3518, v7  }
0x40: {  	vm1 =	vgt.s32 v8, $0xC3517;
	v10 =	vadd.s32 $0xFFF3CAE8, v8;
	v7 =	vsel vm0, v9, v7  }
0x41: {  	v8 =	vsel vm1, v10, v8;
	vm0 =	vgt.s32 v7, $0xC3517;
	v9 =	vadd.s32 $0xFFF3CAE8, v7  }
0x42: {  	v5 =	vadd.s32 v5, v8;
	v7 =	vsel vm0, v9, v7  }
0x43: {  	v8 =	vcvt.s32.f32 v5;
	v6 =	vadd.s32 v6, v7  }
0x44: {  	v7 =	vcvt.s32.f32 v6  }
0x45: {  	v8 =	vmul.f32 $1.249962450e-06, v8  }
0x46: {  	v7 =	vmul.f32 $1.249962450e-06, v7  }
0x47: {  	v8 =	vtrunc.f32 v8  }
0x48: {  	v8 =	vcvt.f32.s32 v8;
	v7 =	vtrunc.f32 v7  }
0x49: {  	v7 =	vcvt.f32.s32 v7  }
0x4a: {  	v8 =	vmul.u32 $0xFFF3CAE8, v8  }
0x4b: {  	v7 =	vmul.u32 $0xFFF3CAE8, v7  }
0x4c: {  	v5 =	vadd.s32 v5, v8  }
0x4d: {  	vm0 =	vlt.s32 v5, $0x0;
	v8 =	vadd.s32 $0xC3518, v5;
	v6 =	vadd.s32 v6, v7  }
0x4e: {  	v5 =	vsel vm0, v8, v5;
	vm0 =	vlt.s32 v6, $0x0;
	v7 =	vadd.s32 $0xC3518, v6  }
0x4f: {  	vm1 =	vgt.s32 v5, $0xC3517;
	v6 =	vsel vm0, v7, v6  }
0x50: {  	v7 =	vadd.s32 $0xFFF3CAE8, v5;
	vm0 =	vgt.s32 v6, $0xC3517;
	v8 =	vadd.s32 $0xFFF3CAE8, v6  }
0x51: {  	s19 =	simm.s32 $0x2;
	v5 =	vsel vm1, v7, v5;
	v6 =	vsel vm0, v8, v6  }
0x52: {  	v6 =	vadd.s32 v5, v6;
	v5 =	vor.u32 s19, v0  }
0x53: {  	s18 =	simm.s32 $0x440;
	s1 =	simm.s32 $0x4;
	s2 =	simm.s32 $0x440;
	vm0 =	vgt.s32 v6, $0xC3517;
	v7 =	vadd.s32 $0xFFF3CAE8, v6  }
.LBB2_2:
0x54: {  	p0 =	sne.s32 s1, $0x1FE  }
0x55: {  	v6 =	vsel vm0, v7, v6;
	s2 =	sadd.s32 $0x10, s2;
	s19 =	smov.u32 s1;
	s1 =	sadd.s32 $0x2, s1  }
0x56: {  	[tilespmem:s18+$0x0] =	vst v6;
	s18 =	smov.u32 s2  }
0x57: {  	v6 =	vld.idx.msk [tilespmem:v5+s3+$0x0], $0xffff  }
0x58: {  	v5 =	vld.idx.msk [tilespmem:v5+s17+$0x0], $0xffff;
	_ =	sdelay $0x4  }
0x59: {  	v7 =	vmul.u32 v3, v6  }
0x5a: {  	v8 =	vmul.u32 v4, v5  }
0x5b: {  	v9 =	vcvt.s32.f32 v7  }
0x5c: {  	v10 =	vcvt.s32.f32 v8  }
0x5d: {  	v9 =	vmul.f32 $1.249962450e-06, v9  }
0x5e: {  	v10 =	vmul.f32 $1.249962450e-06, v10  }
0x5f: {  	v9 =	vtrunc.f32 v9  }
0x60: {  	v9 =	vcvt.f32.s32 v9;
	v10 =	vtrunc.f32 v10  }
0x61: {  	v10 =	vcvt.f32.s32 v10  }
0x62: {  	v9 =	vmul.u32 $0xFFF3CAE8, v9  }
0x63: {  	v10 =	vmul.u32 $0xFFF3CAE8, v10  }
0x64: {  	v7 =	vadd.s32 v7, v9  }
0x65: {  	vm0 =	vlt.s32 v7, $0x0;
	v9 =	vadd.s32 $0xC3518, v7;
	v8 =	vadd.s32 v8, v10  }
0x66: {  	v7 =	vsel vm0, v9, v7;
	vm0 =	vlt.s32 v8, $0x0;
	v9 =	vadd.s32 $0xC3518, v8  }
0x67: {  	vm1 =	vgt.s32 v7, $0xC3517;
	v7 =	vshll.u32 v7, $0xA;
	v8 =	vsel vm0, v9, v8  }
0x68: {  	v9 =	vadd.s32 $0xCF2BA000, v7;
	vm0 =	vgt.s32 v8, $0xC3517;
	v8 =	vshll.u32 v8, $0xA  }
0x69: {  	v7 =	vsel vm1, v9, v7;
	v9 =	vadd.s32 $0xCF2BA000, v8  }
0x6a: {  	v10 =	vcvt.s32.f32 v7;
	v8 =	vsel vm0, v9, v8  }
0x6b: {  	v9 =	vcvt.s32.f32 v8  }
0x6c: {  	v10 =	vmul.f32 $1.249962450e-06, v10  }
0x6d: {  	v9 =	vmul.f32 $1.249962450e-06, v9  }
0x6e: {  	v10 =	vtrunc.f32 v10  }
0x6f: {  	v10 =	vcvt.f32.s32 v10;
	v9 =	vtrunc.f32 v9  }
0x70: {  	v9 =	vcvt.f32.s32 v9  }
0x71: {  	v10 =	vmul.u32 $0xFFF3CAE8, v10  }
0x72: {  	v9 =	vmul.u32 $0xFFF3CAE8, v9  }
0x73: {  	v6 =	vmul.u32 v1, v6;
	v5 =	vmul.u32 v2, v5;
	v7 =	vadd.s32 v7, v10  }
0x74: {  	vm0 =	vlt.s32 v7, $0x0;
	v10 =	vadd.s32 $0xC3518, v7;
	v8 =	vadd.s32 v8, v9  }
0x75: {  	v7 =	vsel vm0, v10, v7;
	vm0 =	vlt.s32 v8, $0x0;
	v9 =	vadd.s32 $0xC3518, v8  }
0x76: {  	vm1 =	vgt.s32 v7, $0xC3517;
	v10 =	vadd.s32 $0xFFF3CAE8, v7;
	v8 =	vsel vm0, v9, v8  }
0x77: {  	v7 =	vsel vm1, v10, v7;
	vm0 =	vgt.s32 v8, $0xC3517;
	v9 =	vadd.s32 $0xFFF3CAE8, v8  }
0x78: {  	v6 =	vadd.s32 v6, v7;
	v7 =	vsel vm0, v9, v8  }
0x79: {  	v8 =	vcvt.s32.f32 v6;
	v5 =	vadd.s32 v5, v7  }
0x7a: {  	v7 =	vcvt.s32.f32 v5  }
0x7b: {  	v8 =	vmul.f32 $1.249962450e-06, v8  }
0x7c: {  	v7 =	vmul.f32 $1.249962450e-06, v7  }
0x7d: {  	v8 =	vtrunc.f32 v8  }
0x7e: {  	v8 =	vcvt.f32.s32 v8;
	v7 =	vtrunc.f32 v7  }
0x7f: {  	v7 =	vcvt.f32.s32 v7  }
0x80: {  	v8 =	vmul.u32 $0xFFF3CAE8, v8  }
0x81: {  	v7 =	vmul.u32 $0xFFF3CAE8, v7  }
0x82: {  	v6 =	vadd.s32 v6, v8  }
0x83: {  	vm0 =	vlt.s32 v6, $0x0;
	v8 =	vadd.s32 $0xC3518, v6;
	v5 =	vadd.s32 v5, v7  }
0x84: {  	v6 =	vsel vm0, v8, v6;
	vm0 =	vlt.s32 v5, $0x0;
	v7 =	vadd.s32 $0xC3518, v5  }
.Ltmp0:
0x85: {  	vm1 =	vgt.s32 v6, $0xC3517;
	v8 =	vadd.s32 $0xFFF3CAE8, v6;
	v7 =	vsel vm0, v7, v5;
	(pc) =	sbr.rel @p0 .LBB2_2-.Ltmp0, $4  }
0x86: {  	v6 =	vsel vm1, v8, v6;
	vm0 =	vgt.s32 v7, $0xC3517;
	v8 =	vadd.s32 $0xFFF3CAE8, v7  }
0x87: {  	v5 =	vor.u32 s19, v0;
	v7 =	vsel vm0, v8, v7  }
0x88: {  	v6 =	vadd.s32 v6, v7  }
0x89: {  	vm0 =	vgt.s32 v6, $0xC3517;
	v7 =	vadd.s32 $0xFFF3CAE8, v6  }
0x8a: {  	_ =	sdelay $0x1  }
0x8b: {  	v6 =	vsel vm0, v7, v6  }
0x8c: {  	[tilespmem:s18+$0x0] =	vst v6  }
0x8d: {  	v6 =	vld.idx.msk [tilespmem:v5+s3+$0x0], $0xffff  }
0x8e: {  	v54 =	vld.idx.msk [tilespmem:v5+s17+$0x0], $0xffff;
	_ =	sdelay $0x3  }
0x8f: {  	v3 =	vmul.u32 v3, v6  }
0x90: {  	v4 =	vmul.u32 v4, v54  }
0x91: {  	v55 =	vcvt.s32.f32 v3  }
0x92: {  	v8 =	vcvt.s32.f32 v4  }
0x93: {  	v7 =	vmul.f32 $1.249962450e-06, v55  }
0x94: {  	v8 =	vmul.f32 $1.249962450e-06, v8  }
0x95: {  	v7 =	vtrunc.f32 v7  }
0x96: {  	v8 =	vtrunc.f32 v8;
	v7 =	vcvt.f32.s32 v7  }
0x97: {  	v8 =	vcvt.f32.s32 v8  }
0x98: {  	v7 =	vmul.u32 $0xFFF3CAE8, v7  }
0x99: {  	v8 =	vmul.u32 $0xFFF3CAE8, v8  }
0x9a: {  	v3 =	vadd.s32 v3, v7  }
0x9b: {  	v4 =	vadd.s32 v4, v8;
	vm6 =	vlt.s32 v3, $0x0;
	v7 =	vadd.s32 $0xC3518, v3  }
0x9c: {  	vm7 =	vlt.s32 v4, $0x0;
	v56 =	vadd.s32 $0xC3518, v4;
	v3 =	vsel vm6, v7, v3  }
0x9d: {  	v4 =	vsel vm7, v56, v4;
	v57 =	vshll.u32 v3, $0xA  }
0x9e: {  	vm8 =	vgt.s32 v3, $0xC3517;
	v7 =	vshll.u32 v4, $0xA;
	v3 =	vadd.s32 $0xCF2BA000, v57  }
0x9f: {  	vm1 =	vgt.s32 v4, $0xC3517;
	v58 =	vadd.s32 $0xCF2BA000, v7;
	v3 =	vsel vm8, v3, v57  }
0xa0: {  	v4 =	vsel vm1, v58, v7;
	v8 =	vcvt.s32.f32 v3  }
0xa1: {  	v7 =	vcvt.s32.f32 v4  }
0xa2: {  	v8 =	vmul.f32 $1.249962450e-06, v8  }
0xa3: {  	v7 =	vmul.f32 $1.249962450e-06, v7  }
0xa4: {  	v8 =	vtrunc.f32 v8  }
0xa5: {  	v7 =	vtrunc.f32 v7;
	v8 =	vcvt.f32.s32 v8  }
0xa6: {  	v7 =	vcvt.f32.s32 v7  }
0xa7: {  	v8 =	vmul.u32 $0xFFF3CAE8, v8  }
0xa8: {  	v7 =	vmul.u32 $0xFFF3CAE8, v7  }
0xa9: {  	v1 =	vmul.u32 v1, v6;
	v2 =	vmul.u32 v2, v54;
	v3 =	vadd.s32 v3, v8  }
0xaa: {  	v4 =	vadd.s32 v4, v7;
	vm9 =	vlt.s32 v3, $0x0;
	v59 =	vadd.s32 $0xC3518, v3  }
0xab: {  	vm10 =	vlt.s32 v4, $0x0;
	v60 =	vadd.s32 $0xC3518, v4;
	v3 =	vsel vm9, v59, v3  }
0xac: {  	v4 =	vsel vm10, v60, v4;
	vm11 =	vgt.s32 v3, $0xC3517;
	v61 =	vadd.s32 $0xFFF3CAE8, v3  }
0xad: {  	vm0 =	vgt.s32 v4, $0xC3517;
	v5 =	vadd.s32 $0xFFF3CAE8, v4;
	v3 =	vsel vm11, v61, v3  }
0xae: {  	v1 =	vadd.s32 v1, v3;
	v3 =	vsel vm0, v5, v4  }
0xaf: {  	v62 =	vcvt.s32.f32 v1;
	v2 =	vadd.s32 v2, v3  }
0xb0: {  	v3 =	vcvt.s32.f32 v2  }
0xb1: {  	v4 =	vmul.f32 $1.249962450e-06, v62  }
0xb2: {  	v3 =	vmul.f32 $1.249962450e-06, v3  }
0xb3: {  	v4 =	vtrunc.f32 v4  }
0xb4: {  	v4 =	vcvt.f32.s32 v4;
	v3 =	vtrunc.f32 v3  }
0xb5: {  	v3 =	vcvt.f32.s32 v3  }
0xb6: {  	v4 =	vmul.u32 $0xFFF3CAE8, v4  }
0xb7: {  	v3 =	vmul.u32 $0xFFF3CAE8, v3  }
0xb8: {  	v1 =	vadd.s32 v1, v4  }
0xb9: {  	vm12 =	vlt.s32 v1, $0x0;
	v4 =	vadd.s32 $0xC3518, v1;
	v2 =	vadd.s32 v2, v3  }
0xba: {  	v1 =	vsel vm12, v4, v1;
	vm13 =	vlt.s32 v2, $0x0;
	v3 =	vadd.s32 $0xC3518, v2  }
0xbb: {  	vm14 =	vgt.s32 v1, $0xC3517;
	v2 =	vsel vm13, v3, v2  }
0xbc: {  	v3 =	vadd.s32 $0xFFF3CAE8, v1;
	vm0 =	vgt.s32 v2, $0xC3517;
	v63 =	vadd.s32 $0xFFF3CAE8, v2  }
0xbd: {  	v1 =	vsel vm14, v3, v1;
	v2 =	vsel vm0, v63, v2  }
0xbe: {  	v1 =	vadd.s32 v1, v2  }
0xbf: {  	vm15 =	vgt.s32 v1, $0xC3517;
	v2 =	vadd.s32 $0xFFF3CAE8, v1  }
0xc0: {  	s1 =	sadd.s32 $0x10, s2;
	v1 =	vsel vm15, v2, v1  }
0xc1: {  	s19 =	simm.s32 $0x440;
	[tilespmem:s1+$0x0] =	vst v1  }
0xc2: {  	[tilespmem:s20], [sflag:$0x1] =	stream.indirect.gather [hbm4b:s4+s17], $0x40, s19, s17, $0xb8;
	[tilespmem:$0x11440] =	vst v63  }
0xc3: {  	_ =	swait.ge [sflag:s21], $0x8000  }
0xc4: {  	[sflag:s21] =	ssyncset.done $0x0  }
0xc5: {  	[sflag:s21] =	ssyncadd.s32 $0xFFFF8000  }
0xc6: {  	[tilespmem:s23], [sflag:$0x1] =	stream.indirect.gather [hbm4b:s4+s17], $0x40, s22, s17, $0xb8;
	[tilespmem:$0x11440] =	vst v63  }
0xc7: {  	_ = 	snop  }
0xc8: {  	[hbm4b:s7+s3] =	stream.linear.scatter [tilespmem:s20], [sflag:$0x2], $0x8000, $0x38;
	[tilespmem:$0x11440] =	vst v63  }
0xc9: {  	_ =	swait.ge [sflag:s21], $0x8000  }
0xca: {  	[sflag:s21] =	ssyncset.done $0x0  }
0xcb: {  	[sflag:s21] =	ssyncadd.s32 $0xFFFF8000  }
0xcc: {  	_ =	swait.ge [sflag:s24], $0x8000  }
0xcd: {  	[sflag:s24] =	ssyncset.done $0x0  }
0xce: {  	[sflag:s24] =	ssyncadd.s32 $0xFFFF8000  }
0xcf: {  	[tilespmem:s20], [sflag:$0x1] =	stream.indirect.gather [hbm4b:s4+s17], $0x40, s25, s17, $0xb8;
	[tilespmem:$0x11440] =	vst v63  }
0xd0: {  	_ = 	snop  }
0xd1: {  	[hbm4b:s8+s3] =	stream.linear.scatter [tilespmem:s23], [sflag:$0x2], $0x8000, $0x38;
	[tilespmem:$0x11440] =	vst v63  }
0xd2: {  	_ =	swait.ge [sflag:s21], $0x8000  }
0xd3: {  	[sflag:s21] =	ssyncset.done $0x0  }
0xd4: {  	[sflag:s21] =	ssyncadd.s32 $0xFFFF8000  }
0xd5: {  	_ =	swait.ge [sflag:s24], $0x8000  }
0xd6: {  	[sflag:s24] =	ssyncset.done $0x0  }
0xd7: {  	[sflag:s24] =	ssyncadd.s32 $0xFFFF8000  }
0xd8: {  	[tilespmem:s23], [sflag:$0x1] =	stream.indirect.gather [hbm4b:s4+s17], $0x40, s26, s17, $0xb8;
	[tilespmem:$0x11440] =	vst v63  }
0xd9: {  	_ = 	snop  }
0xda: {  	[hbm4b:s9+s3] =	stream.linear.scatter [tilespmem:s20], [sflag:$0x2], $0x8000, $0x38;
	[tilespmem:$0x11440] =	vst v63  }
0xdb: {  	_ =	swait.ge [sflag:s21], $0x8000  }
0xdc: {  	[sflag:s21] =	ssyncset.done $0x0  }
0xdd: {  	[sflag:s21] =	ssyncadd.s32 $0xFFFF8000  }
0xde: {  	_ =	swait.ge [sflag:s24], $0x8000  }
0xdf: {  	[sflag:s24] =	ssyncset.done $0x0  }
0xe0: {  	[sflag:s24] =	ssyncadd.s32 $0xFFFF8000  }
0xe1: {  	[tilespmem:s20], [sflag:$0x1] =	stream.indirect.gather [hbm4b:s4+s17], $0x40, s28, s17, $0xb8;
	[tilespmem:$0x11440] =	vst v63  }
0xe2: {  	_ = 	snop  }
0xe3: {  	[hbm4b:s10+s3] =	stream.linear.scatter [tilespmem:s23], [sflag:$0x2], $0x8000, $0x38;
	[tilespmem:$0x11440] =	vst v63  }
0xe4: {  	_ =	swait.ge [sflag:s21], $0x8000  }
0xe5: {  	[sflag:s21] =	ssyncset.done $0x0  }
0xe6: {  	[sflag:s21] =	ssyncadd.s32 $0xFFFF8000  }
0xe7: {  	_ =	swait.ge [sflag:s24], $0x8000  }
0xe8: {  	[sflag:s24] =	ssyncset.done $0x0  }
0xe9: {  	[sflag:s24] =	ssyncadd.s32 $0xFFFF8000  }
0xea: {  	[tilespmem:s23], [sflag:$0x1] =	stream.indirect.gather [hbm4b:s4+s17], $0x40, s29, s17, $0xb8;
	[tilespmem:$0x11440] =	vst v63  }
0xeb: {  	_ = 	snop  }
0xec: {  	[hbm4b:s11+s3] =	stream.linear.scatter [tilespmem:s20], [sflag:$0x2], $0x8000, $0x38;
	[tilespmem:$0x11440] =	vst v63  }
0xed: {  	_ =	swait.ge [sflag:s21], $0x8000  }
0xee: {  	[sflag:s21] =	ssyncset.done $0x0  }
0xef: {  	[sflag:s21] =	ssyncadd.s32 $0xFFFF8000  }
0xf0: {  	_ =	swait.ge [sflag:s24], $0x8000  }
0xf1: {  	[sflag:s24] =	ssyncset.done $0x0  }
0xf2: {  	[sflag:s24] =	ssyncadd.s32 $0xFFFF8000  }
0xf3: {  	[tilespmem:s20], [sflag:$0x1] =	stream.indirect.gather [hbm4b:s4+s17], $0x40, s30, s17, $0xb8;
	[tilespmem:$0x11440] =	vst v63  }
0xf4: {  	_ = 	snop  }
0xf5: {  	[hbm4b:s12+s3] =	stream.linear.scatter [tilespmem:s23], [sflag:$0x2], $0x8000, $0x38;
	[tilespmem:$0x11440] =	vst v63  }
0xf6: {  	_ =	swait.ge [sflag:s21], $0x8000  }
0xf7: {  	[sflag:s21] =	ssyncset.done $0x0  }
0xf8: {  	[sflag:s21] =	ssyncadd.s32 $0xFFFF8000  }
0xf9: {  	_ =	swait.ge [sflag:s24], $0x8000  }
0xfa: {  	[sflag:s24] =	ssyncset.done $0x0  }
0xfb: {  	[sflag:s24] =	ssyncadd.s32 $0xFFFF8000  }
0xfc: {  	[tilespmem:s23], [sflag:$0x1] =	stream.indirect.gather [hbm4b:s4+s17], $0x40, s31, s17, $0xb8;
	[tilespmem:$0x11440] =	vst v63  }
0xfd: {  	_ = 	snop  }
0xfe: {  	[hbm4b:s13+s3] =	stream.linear.scatter [tilespmem:s20], [sflag:$0x2], $0x8000, $0x38;
	[tilespmem:$0x11440] =	vst v63  }
0xff: {  	_ =	swait.ge [sflag:s21], $0x8000  }
0x100: {  	[sflag:s21] =	ssyncset.done $0x0  }
0x101: {  	[sflag:s21] =	ssyncadd.s32 $0xFFFF8000  }
0x102: {  	s0 =	sadd.s32 $0x1, s0;
	_ =	swait.ge [sflag:s24], $0x8000  }
0x103: {  	p0 =	sne.s32 s0, s15;
	[sflag:s24] =	ssyncset.done $0x0  }
.Ltmp1:
0x104: {  	[sflag:s24] =	ssyncadd.s32 $0xFFFF8000;
	(pc) =	sbr.rel @p0 .LBB2_1-.Ltmp1, $4  }
0x105: {  	[hbm4b:s14+s3] =	stream.linear.scatter [tilespmem:s23], [sflag:$0x2], $0x8000, $0x38;
	[tilespmem:$0x11440] =	vst v63  }
0x106: {  	_ =	swait.ge [sflag:s24], $0x8000  }
0x107: {  	[sflag:s24] =	ssyncset.done $0x0  }
0x108: {  	[sflag:s24] =	ssyncadd.s32 $0xFFFF8000  }
0x109: {  	_ =	sfence.sel $0x180000  }
0x10a: {  	[bflag:$0x0] =	sbarrier.arrive $0xFFFF  }
0x10b: {  	_ =	strace $0x90000047  }
0x10c: {  	s0 =	stileid.u32;
	[bflag:$0x2] =	sbarrier.arrive $0xFFFF  }
0x10d: {  	p0 =	sne.s32 s0, $0x0;
	s0 =	rddreg [dreg:$0x5]  }
0x10e: {  	s0 =	sadd.s32 @!p0 $0x100000, s0  }
0x10f: {  	[sflag:s0] =	ssyncadd.tile.s32 @!p0 $0x1;
	_ =	shalt  }
.Lfunc_end2:
_tile_overlayer_lowered:
.L_overlay_start_2:
0x110: {  	(tag) =	ssettag $0x2  }
0x111: {  	s0 =	rddreg [dreg:$0x0];
	s2 =	stileid.u32  }
0x112: {  	s1 =	rddreg [dreg:$0x1];
	p0 =	sne.s32 s2, $0x0  }
0x113: {  	s3 =	rddreg [dreg:$0x2];
	[bflag:$0x3] =	sbarrier.arrive $0xFFFF;
	s2 =	simm.s32 @!p0 $0x1C03  }
0x114: {  	[timem:s3], [sflag:s2] =	dma.local @!p0 [hbm:s0], s1  }
0x115: {  	s0 =	simm.s32 @!p0 $0x3  }
0x116: {  	_ =	swait.ge @!p0 [sflag:s0], s1  }
0x117: {  	s1 =	ssub.s32 @!p0 $0x0, s1;
	[sflag:s0] =	ssyncset.done @!p0 $0x0  }
0x118: {  	[sflag:s0] =	ssyncadd.s32 @!p0 s1  }
0x119: {  	[bflag:$0x3] =	sbarrier.arrive $0xFFFF  }
0x11a: {  	_ =	shalt  }

// kernel: sparse-core-data-format-call.cloned.1.call-start
scs
called_computation_lowered:
.L_overlay_start_0:
0x0: {  	s2 =	sld [smem:$0x3FD9]  }
0x1: {  	s3 =	sld [smem:$0x3FFE];
	_ =	sdelay $0x1  }
0x2: {  	s1 =	srdreg.scid  }
0x3: {  	s0 =	sand.u32 $0x1, s1  }
0x4: {  	s18 =	sshll.u32 s0, $0xA;
	s2 =	sadd.s32 s3, s2  }
0x5: {  	s2 =	sadd.s32 s2, s18  }
0x6: {  	[smem:$0x3FC4] =	sst s2  }
0x7: {  	_ = 	snop  }
0x8: {  	s2 =	sld [smem:$0x3FD0];
	(tm) =	ssettm $0x1  }
0x9: {  	s19 =	sld [smem:$0x3FFB];
	_ =	sdelay $0x3  }
0xa: {  	_ =	strace s19  }
0xb: {  	s3 =	sld [smem:$0x3FFC];
	_ =	sdelay $0x3  }
0xc: {  	_ =	strace s3  }
0xd: {  	s3 =	sld [smem:$0x3FFD];
	_ =	sdelay $0x3  }
0xe: {  	_ =	strace s3  }
0xf: {  	_ =	strace $0x8FFFFFFF  }
0x10: {  	s20 =	sld [smem:$0x3FDB];
	_ =	sdelay $0x1  }
0x11: {  	s4 =	simm.s32 $_scs_section_size  }
0x12: {  	s5 =	simm.s32 $_size__tile_overlayer_lowered;
	s6 =	simm.s32 $_tile_overlayer_lowered  }
0x13: {  	s23 =	simm.s32 $0x1BFF;
	s22 =	sshll.u32 s6, $0x1;
	s3 =	sadd.s32 s4, s20  }
0x14: {  	s7 =	simm.s32 $0x0;
	s21 =	sshll.u32 s5, $0x1;
	s5 =	sadd.s32 s22, s3  }
0x15: {  	[timem:s7], [sflag:s23] =	dma.local [hbm:s5], s21  }
0x16: {  	_ =	swait.ge [sflag:s23], s21  }
0x17: {  	s4 =	ssub.s32 $0x0, s21;
	[sflag:s23] =	ssyncset.done $0x0  }
0x18: {  	[sflag:s23] =	ssyncadd.s32 s4;
	_ =	sdelay $0x1  }
0x19: {  	s24 =	simm.s32 $0x1B8B  }
0x1a: {  	_ =	swait.ge [sflag:s24], $0x1  }
0x1b: {  	[sflag:s24] =	ssyncset.done $0x0  }
0x1c: {  	s26 =	simm.s32 $0x1B8E;
	s25 =	sld [smem:$0x3FFE];
	[sflag:s24] =	ssyncadd.s32 $0xFFFFFFFF  }
0x1d: {  	s27 =	simm.s32 $execute0_lowered;
	[smem:$0x3FD2] =	sst s26  }
0x1e: {  	s5 =	sshll.u32 s27, $0x1;
	_ =	strace $0x80000049;
	[dreg:$0x1] =	wrdreg $0xFFFFFFFF  }
0x1f: {  	s28 =	simm.s32 $_size_execute0_lowered;
	s3 =	sadd.s32 s3, s5;
	[dreg:$0x0] =	wrdreg $0x0  }
0x20: {  	s5 =	sshll.u32 s28, $0x1;
	[dreg:$0x2] =	wrdreg s3  }
0x21: {  	[dreg:$0x3] =	wrdreg s5  }
0x22: {  	[dreg:$0x4] =	wrdreg $0xC0  }
0x23: {  	_ =	task [dreg:s7], $0x5FFFF  }
0x24: {  	[dreg:$0x1] =	wrdreg $0xFFFFFFFF  }
0x25: {  	[dreg:$0x0] =	wrdreg $0x60  }
0x26: {  	[dreg:$0x2] =	wrdreg s25  }
0x27: {  	[dreg:$0x3] =	wrdreg s2  }
0x28: {  	[dreg:$0x4] =	wrdreg $0x9  }
0x29: {  	_ =	task.clear_ibuf [dreg:s7], $0x5FFFF;
	_ =	strace $0x90000049  }
0x2a: {  	s29 =	simm.s32 $0x9;
	_ =	strace $0x8000004B  }
0x2b: {  	_ =	swait.ge [sflag:s29], $0x1  }
0x2c: {  	[sflag:s29] =	ssyncadd.s32 $0xFFFFFFFF  }
0x2d: {  	_ =	strace $0x9000004B  }
0x2e: {  	_ =	sfence  }
0x2f: {  	s30 =	sld [smem:$0x0];
	_ =	sdelay $0x2  }
0x30: {  	s31 =	sshll.u32 s1, $0xD;
	s1 =	sshrl.u32 s1, $0x2  }
0x31: {  	s3 =	sand.u32 $0x4000, s31;
	s1 =	sadd.s32 s1, s30  }
0x32: {  	s0 =	sor.u32 s3, s0;
	s1 =	sshll.u32 s1, $0x11  }
0x33: {  	s0 =	sor.u32 s1, s0  }
0x34: {  	s0 =	sadd.s32 $0x8F2B, s0  }
0x35: {  	[sflag:s0] =	ssyncadd.remote.s32 $0x1  }
0x36: {  	_ =	sfence.sel $0xFFFF  }
0x37: {  	[dreg:$0x0] =	wrdreg $0xFFFFFFFF;
	(pc) =	sbr.abs _section_cstart, $3  }
0x38: {  	[dreg:$0x1] =	wrdreg $0xFFFFFFFF  }
0x39: {  	_ =	task.clear_ibuf [dreg:s7], $0x2FFFF;
	_ =	strace $0x9FFFFFFF  }
0x3a: {  	(tm) =	ssettm $0x7FFFFFFF  }
0x3b: {  	_ =	shalt  }
tec
execute0_lowered:
.L_overlay_start_1:
0x0: {  	(tag) =	ssettag $0x1  }
0x1: {  	s0 =	srdreg.scid  }
0x2: {  	s1 =	sshll.u32 s0, $0x4  }
0x3: {  	s4 =	rddreg [dreg:$0x0];
	s0 =	stileid.u32;
	s1 =	sand.u32 $0x10, s1  }
0x4: {  	s2 =	rddreg [dreg:$0x1];
	s7 =	simm.s32 $0x1;
	s1 =	sor.u32 s0, s1  }
0x5: {  	s8 =	simm.s32 $0x2;
	s11 =	simm.s32 $0x0;
	s3 =	sshll.u32 s1, $0x7  }
0x6: {  	s10 =	simm.s32 $0x0;
	s4 =	sadd.s32 $0x800, s4;
	s6 =	ssub.s32 $0x20000, s3  }
.Ltmp0:
0x7: {  	s1 =	rddreg [dreg:$0x2];
	s5 =	sand.u32 $0xF80, s6;
	(pc) =	sbr.rel .LBB1_1-.Ltmp0, $4  }
0x8: {  	_ =	strace $0x8000004A;
	s9 =	smov.u32 s3;
	p0 =	sne.s32 s5, $0x0  }
0x9: {  	s6 =	sshrl.u32 s6, $0xC;
	s5 =	simm.s32 $0x1;
	s7 =	simm.s32 @!p0 $0x0  }
0xa: {  	[sflag:s5] =	ssyncpa.u1 $0x0;
	p0 =	por $0x0, $0x0;
	s6 =	sadd.s32 s7, s6  }
0xb: {  	[sflag:s8] =	ssyncpa.u1 $0x0;
	s8 =	simm.s32 $0x100000;
	s7 =	sadd.s32 $0x1, s6  }
.LBB1_4:
0xc: {  	s14 =	sshll.u32 s11, $0x3  }
0xd: {  	s15 =	sand.u32 $0x78, s11;
	s14 =	sand.u32 $0x1FC00, s14  }
0xe: {  	[tilespmem:s13+$0x810 ss:$0x81] =	vst.msk $0xffff, v2;
	s29 =	sand.u32 $0xFC000, s11;
	s30 =	sand.u32 $0x7, s11;
	s14 =	sor.u32 s15, s14  }
0xf: {  	[tilespmem:s13+$0x1020 ss:$0x81] =	vst.msk $0xffff, v0;
	s11 =	sshll.u32 s30, $0x12;
	s15 =	sadd.s32 s2, s29;
	s14 =	sshrl.u32 s14, $0x3  }
0x10: {  	[tilespmem:s13+$0x0 ss:$0x81] =	vst.msk $0xffff, v1;
	s11 =	sor.u32 $0x400, s11;
	s31 =	sadd.s32 s14, s15  }
0x11: {  	[hbm4b:s31+s11] =	stream.strided.scatter [tilespmem:s12], [sflag:$0x2], $0x2000, s8, s11, $0x20;
	[tilespmem:$0x8080] =	vst v63  }
.LBB1_5:
0x12: {  	s13 =	sadd.s32 $0x1000, s9  }
0x13: {  	p2 =	sgt.s32 s13, $0x1FFFF  }
0x14: {  	s13 =	smov.u32 @p2 s3;
	p2 =	sne.s32 s10, s7  }
.Ltmp1:
0x15: {  	p1 =	slt.u32 s10, $0x2;
	(pc) =	sbr.rel @!p2 .LBB1_6-.Ltmp1, $4  }
0x16: {  	s12 =	simm.s32 @!p1 $0x2  }
0x17: {  	s14 =	sadd.s32 $0x1, s10;
	_ =	swait.ge @!p1 [sflag:s12], $0x2000  }
0x18: {  	s11 =	smov.u32 s9;
	p0 =	por !p0, !p0;
	[sflag:s12] =	ssyncset.done @!p1 $0x0  }
0x19: {  	s10 =	smov.u32 s14;
	s9 =	smov.u32 s13;
	[sflag:s12] =	ssyncadd.s32 @!p1 $0xFFFFE000  }
.LBB1_1:
0x1a: {  	p1 =	sge.u32 s10, s6  }
0x1b: {  	s31 =	sadd.s32 $0xFFFFFFFF, s10;
	s12 =	sxor.u32 @!p1 $0xFFFFFFFF, s10;
	s13 =	sshll.u32 @!p1 s9, $0x4  }
0x1c: {  	s14 =	simm.s32 @!p1 $0x40;
	s12 =	sshll.u32 @!p1 s12, $0xD;
	s13 =	sand.u32 @!p1 $0x1FFFF0, s13  }
0x1d: {  	s15 =	simm.s32 @!p1 $0x80;
	s12 =	sand.u32 @!p1 $0x2000, s12;
	s13 =	sadd.s32 @!p1 s4, s13  }
0x1e: {  	[tilespmem:s12], [sflag:$0x1] =	stream.strided.gather @!p1 [hbm4b:s13+s14], $0x2000, s15, s14, $0x38;
	[tilespmem:$0x8080] =	vst v63  }
0x1f: {  	p1 =	sge.u32 s31, s6  }
.Ltmp2:
0x20: {  	_ = 	snop;
	(pc) =	sbr.rel @p1 .LBB1_5-.Ltmp2, $1  }
0x21: {  	_ =	sdelay $0x3  }
0x22: {  	s12 =	simm.s32 $0x1  }
0x23: {  	_ =	swait.ge [sflag:s5], $0x2000;
	s12 =	simm.s32 @!p0 $0x0  }
0x24: {  	[sflag:s5] =	ssyncset.done $0x0;
	s13 =	sshll.u32 s12, $0xD  }
0x25: {  	[sflag:s5] =	ssyncadd.s32 $0xFFFFE000;
	s16 =	sor.u32 $0x20, s13  }
0x26: {  	s12 =	smul.u32 $0x8100, s12;
	v3 =	vld [tilespmem:s16+$0x10]  }
0x27: {  	s30 =	sand.u32 $0x1, s10;
	v2 =	vld [tilespmem:s16+$0xFFFFFFF0]  }
0x28: {  	s13 =	smul.u32 $0x8100, s30;
	s12 =	sshrl.u32 s12, $0x2;
	v0 =	vld [tilespmem:s16+$0x0]  }
0x29: {  	v1 =	vld [tilespmem:s16+$0xFFFFFFE0];
	s14 =	sor.u32 $0x4000, s12  }
0x2a: {  	s31 =	sshrl.u32 s13, $0x2;
	s13 =	sadd.s32 $0x0, s14  }
0x2b: {  	s15 =	simm.s32 $0x4;
	s16 =	sadd.s32 $0x40, s16;
	s12 =	sor.u32 $0x4000, s31;
	[tilespmem:s13+$0x1830 ss:$0x81] =	vst.msk $0xffff, v3  }
.LBB1_3:
0x2c: {  	v3 =	vld [tilespmem:s16+$0x10];
	p1 =	sne.s32 s15, $0x1FC;
	[tilespmem:s13+$0x810 ss:$0x81] =	vst.msk $0xffff, v2;
	s17 =	smov.u32 s15;
	s15 =	sadd.s32 $0x4, s15  }
.Ltmp3:
0x2d: {  	v2 =	vld [tilespmem:s16+$0xFFFFFFF0];
	[tilespmem:s13+$0x1020 ss:$0x81] =	vst.msk $0xffff, v0;
	(pc) =	sbr.rel @p1 .LBB1_3-.Ltmp3, $4  }
0x2e: {  	v0 =	vld [tilespmem:s16+$0x0];
	[tilespmem:s13+$0x0 ss:$0x81] =	vst.msk $0xffff, v1  }
0x2f: {  	s13 =	sshra.s32 s17, $0x2;
	v1 =	vld [tilespmem:s16+$0xFFFFFFE0]  }
0x30: {  	s13 =	sadd.s32 s13, s14  }
0x31: {  	s16 =	sadd.s32 $0x40, s16;
	[tilespmem:s13+$0x1830 ss:$0x81] =	vst.msk $0xffff, v3  }
.Ltmp4:
0x32: {  	_ = 	snop;
	(pc) =	sbr.rel .LBB1_4-.Ltmp4, $1  }
0x33: {  	_ =	sdelay $0x3  }
.LBB1_6:
0x34: {  	_ =	sfence.sel $0x180000  }
0x35: {  	s2 =	simm.s32 $0x1;
	[bflag:$0x0] =	sbarrier.arrive $0xFFFF  }
0x36: {  	s31 =	simm.s32 $0x2;
	[sflag:s2] =	ssyncpa.u1 $0x1  }
0x37: {  	[sflag:s31] =	ssyncpa.u1 $0x1  }
0x38: {  	p0 =	sne.s32 s0, $0x0;
	_ =	strace $0x9000004A  }
0x39: {  	s0 =	sadd.s32 @!p0 $0x100000, s1;
	[bflag:$0x2] =	sbarrier.arrive $0xFFFF  }
0x3a: {  	[sflag:s0] =	ssyncadd.tile.s32 @!p0 $0x1;
	_ =	shalt  }
.Lfunc_end1:
_tile_overlayer_lowered:
.L_overlay_start_2:
0x3b: {  	(tag) =	ssettag $0x2  }
0x3c: {  	s0 =	rddreg [dreg:$0x0];
	s2 =	stileid.u32  }
0x3d: {  	s1 =	rddreg [dreg:$0x1];
	p0 =	sne.s32 s2, $0x0  }
0x3e: {  	s3 =	rddreg [dreg:$0x2];
	[bflag:$0x3] =	sbarrier.arrive $0xFFFF;
	s2 =	simm.s32 @!p0 $0x1C01  }
0x3f: {  	[timem:s3], [sflag:s2] =	dma.local @!p0 [hbm:s0], s1  }
0x40: {  	s0 =	simm.s32 @!p0 $0x1  }
0x41: {  	_ =	swait.ge @!p0 [sflag:s0], s1  }
0x42: {  	s1 =	ssub.s32 @!p0 $0x0, s1;
	[sflag:s0] =	ssyncset.done @!p0 $0x0  }
0x43: {  	[sflag:s0] =	ssyncadd.s32 @!p0 s1  }
0x44: {  	[bflag:$0x3] =	sbarrier.arrive $0xFFFF  }
0x45: {  	_ =	shalt  }

</sc_bundles>
